<compile_context>
chip_gen: v7x
topology: tpu7x:2x2x1
jax: 0.10.2.dev20260603
libtpu: 0.0.44.dev20260713+nightly
codegen_flags: <defaults>
</compile_context>

<pallas_src>
import functools

import jax
import jax.numpy as jnp
from jax import lax
from jax.experimental import pallas as pl
from jax.experimental.pallas import tpu as pltpu
from jax.experimental.pallas import tpu_sc as plsc

T = 2048
EMB = 1024
HID = 2816
E = 8
K = 2

BT = 256
NB = (T * K) // BT + E
XS = NB * BT
CH = 1408
NCH = HID // CH

NW = 32
TPW = T // NW

_INTERPRET = False


def _gating_kernel(scores_ref, pos_ref, probs_ref, be_ref, bv_ref, nbu_ref):
    f32 = jnp.float32
    scores = scores_ref[...]

    iota_e = lax.broadcasted_iota(jnp.int32, (T, E), 1)
    m1 = jnp.max(scores, axis=1, keepdims=True)
    e1 = jnp.min(jnp.where(scores == m1, iota_e, E), axis=1, keepdims=True)
    oh1 = (iota_e == e1)
    s2 = jnp.where(oh1, -jnp.inf, scores)
    m2 = jnp.max(s2, axis=1, keepdims=True)
    e2 = jnp.min(jnp.where(s2 == m2, iota_e, E), axis=1, keepdims=True)
    oh2 = (iota_e == e2)

    bexp = jnp.exp(m2 - m1)
    p1 = 1.0 / (1.0 + bexp)
    p2 = bexp / (1.0 + bexp)
    probs_ref[...] = jnp.concatenate([p1, p2], axis=1)

    a = oh1.astype(f32) + oh2.astype(f32)
    li = lax.broadcasted_iota(jnp.int32, (T, T), 0)
    lj = lax.broadcasted_iota(jnp.int32, (T, T), 1)
    ltri = (li > lj).astype(jnp.bfloat16)
    r = lax.dot_general(ltri, a.astype(jnp.bfloat16), (((1,), (0,)), ((), ())),
                        preferred_element_type=f32)

    cnt = jnp.sum(a, axis=0, keepdims=True)
    pcnt = ((cnt.astype(jnp.int32) + BT - 1) // BT) * BT
    u_i = lax.broadcasted_iota(jnp.int32, (E, E), 0)
    u_j = lax.broadcasted_iota(jnp.int32, (E, E), 1)
    upper = (u_i < u_j).astype(f32)
    offs = lax.dot_general(pcnt.astype(f32), upper, (((1,), (0,)), ((), ())),
                           preferred_element_type=f32,
                           precision=lax.Precision.HIGHEST)
    total = jnp.sum(pcnt)

    dest = offs + r
    pos1 = jnp.sum(jnp.where(oh1, dest, 0.0), axis=1, keepdims=True)
    pos2 = jnp.sum(jnp.where(oh2, dest, 0.0), axis=1, keepdims=True)
    pos_ref[...] = jnp.concatenate([pos1, pos2], axis=1).astype(jnp.int32)

    ends = offs.astype(jnp.int32) + pcnt
    bi = lax.broadcasted_iota(jnp.int32, (NB, E), 0)
    raw = jnp.sum((bi * BT >= ends).astype(jnp.int32), axis=1, keepdims=True)
    eids = lax.broadcasted_iota(jnp.int32, (1, E), 1)
    last_e = jnp.max(jnp.where(pcnt > 0, eids, 0))
    be_ref[...] = jnp.minimum(raw, last_e)
    bcol = lax.broadcasted_iota(jnp.int32, (NB, 1), 0)
    bv_ref[...] = (bcol * BT < total).astype(jnp.int32)
    nbu_ref[...] = jnp.full((1, 1), total // BT, jnp.int32)


def _gating(scores):
    return pl.pallas_call(
        _gating_kernel,
        out_shape=(
            jax.ShapeDtypeStruct((T, K), jnp.int32),
            jax.ShapeDtypeStruct((T, K), jnp.float32),
            jax.ShapeDtypeStruct((NB, 1), jnp.int32),
            jax.ShapeDtypeStruct((NB, 1), jnp.int32),
            jax.ShapeDtypeStruct((1, 1), jnp.int32),
        ),
        interpret=_INTERPRET,
    )(scores)


@functools.lru_cache(maxsize=None)
def _sc_mesh():
    return plsc.VectorSubcoreMesh(core_axis_name="c", subcore_axis_name="s")


@functools.lru_cache(maxsize=None)
def _sc_dispatch_kernel():
    @functools.partial(
        pl.kernel,
        mesh=_sc_mesh(),
        out_type=[
            jax.ShapeDtypeStruct((XS, EMB), jnp.float32),
            jax.ShapeDtypeStruct((XS, 128), jnp.float32),
        ],
        scratch_types=[
            pltpu.VMEM((TPW, EMB), jnp.float32),
            pltpu.VMEM((TPW, 128), jnp.float32),
            pltpu.VMEM((TPW,), jnp.int32),
            pltpu.SemaphoreType.DMA,
        ],
    )
    def dispatch(x_hbm, post_hbm, wpay_hbm, xs_hbm, ws_hbm,
                 rows_v, wrows_v, idx_v, sem):
        wid = lax.axis_index("s") * 2 + lax.axis_index("c")
        base = wid * TPW
        pltpu.sync_copy(x_hbm.at[pl.ds(base, TPW)], rows_v)
        for s in range(K):
            pltpu.sync_copy(post_hbm.at[wid, s], idx_v)
            pltpu.async_copy(rows_v, xs_hbm.at[idx_v], sem).wait()
            pltpu.sync_copy(wpay_hbm.at[s, pl.ds(base, TPW)], wrows_v)
            pltpu.async_copy(wrows_v, ws_hbm.at[idx_v], sem).wait()

    return dispatch


def _sc_dispatch(x_flat, post, wpay):
    return _sc_dispatch_kernel()(x_flat, post, wpay)


@functools.lru_cache(maxsize=None)
def _sc_combine_kernel():
    @functools.partial(
        pl.kernel,
        mesh=_sc_mesh(),
        out_type=[
            jax.ShapeDtypeStruct((T, EMB), jnp.float32),
            jax.ShapeDtypeStruct((T, EMB), jnp.float32),
        ],
        scratch_types=[
            pltpu.VMEM((TPW, EMB), jnp.float32),
            pltpu.VMEM((TPW,), jnp.int32),
            pltpu.SemaphoreType.DMA,
        ],
    )
    def combine(ys_hbm, post_hbm, g0_hbm, g1_hbm, rows_v, idx_v, sem):
        wid = lax.axis_index("s") * 2 + lax.axis_index("c")
        base = wid * TPW
        for s in range(K):
            pltpu.sync_copy(post_hbm.at[wid, s], idx_v)
            pltpu.async_copy(ys_hbm.at[idx_v], rows_v, sem).wait()
            g_hbm = g0_hbm if s == 0 else g1_hbm
            pltpu.sync_copy(rows_v, g_hbm.at[pl.ds(base, TPW)])

    return combine


def _sc_combine(ys, post):
    return _sc_combine_kernel()(ys, post)


def _act_kernel(be_ref, bv_ref, nbu_ref, xs_ref, ws_ref, w1_ref, w2_ref,
                act_ref):
    b = pl.program_id(1)

    @pl.when(bv_ref[b] != 0)
    def _():
        xs = xs_ref[...].astype(jnp.bfloat16)
        dn = (((1,), (1,)), ((), ()))
        h = lax.dot_general(xs, w1_ref[0].astype(jnp.bfloat16), dn,
                            preferred_element_type=jnp.float32)
        g = lax.dot_general(xs, w2_ref[0].astype(jnp.bfloat16), dn,
                            preferred_element_type=jnp.float32)
        act = h * jax.nn.sigmoid(h) * g
        act_ref[...] = (act * ws_ref[:, 0:1]).astype(jnp.bfloat16)


def _down_kernel(be_ref, bv_ref, nbu_ref, act_ref, w3_ref, out_ref):
    b = pl.program_id(0)

    @pl.when(bv_ref[b] != 0)
    def _():
        dn = (((1,), (1,)), ((), ()))
        out_ref[...] = lax.dot_general(act_ref[...],
                                       w3_ref[0].astype(jnp.bfloat16), dn,
                                       preferred_element_type=jnp.float32)


def _grouped_ffn(xs, ws, w1, w2, w3, blk_expert, blk_valid, nb_used):
    act = pl.pallas_call(
        _act_kernel,
        grid_spec=pltpu.PrefetchScalarGridSpec(
            num_scalar_prefetch=3,
            grid=(NCH, NB),
            in_specs=[
                pl.BlockSpec((BT, EMB),
                             lambda c, b, be, bv, nu: (jnp.minimum(b, nu[0] - 1), 0)),
                pl.BlockSpec((BT, 128),
                             lambda c, b, be, bv, nu: (jnp.minimum(b, nu[0] - 1), 0)),
                pl.BlockSpec((1, CH, EMB),
                             lambda c, b, be, bv, nu: (be[b], c, 0)),
                pl.BlockSpec((1, CH, EMB),
                             lambda c, b, be, bv, nu: (be[b], c, 0)),
            ],
            out_specs=pl.BlockSpec(
                (BT, CH), lambda c, b, be, bv, nu: (jnp.minimum(b, nu[0] - 1), c)),
        ),
        out_shape=jax.ShapeDtypeStruct((XS, HID), jnp.bfloat16),
        interpret=_INTERPRET,
    )(blk_expert, blk_valid, nb_used, xs, ws, w1, w2)

    return pl.pallas_call(
        _down_kernel,
        grid_spec=pltpu.PrefetchScalarGridSpec(
            num_scalar_prefetch=3,
            grid=(NB,),
            in_specs=[
                pl.BlockSpec((BT, HID),
                             lambda b, be, bv, nu: (jnp.minimum(b, nu[0] - 1), 0)),
                pl.BlockSpec((1, EMB, HID),
                             lambda b, be, bv, nu: (be[b], 0, 0)),
            ],
            out_specs=pl.BlockSpec(
                (BT, EMB), lambda b, be, bv, nu: (jnp.minimum(b, nu[0] - 1), 0)),
        ),
        out_shape=jax.ShapeDtypeStruct((XS, EMB), jnp.float32),
        interpret=_INTERPRET,
    )(blk_expert, blk_valid, nb_used, act, w3)


def kernel(x, gate_w, w1, w2, w3):
    b, s, d = x.shape
    x_flat = x.reshape(b * s, d)

    scores = x_flat @ gate_w.T
    pos, probs, blk_expert, blk_valid, nb_used = _gating(scores)
    blk_expert = blk_expert.reshape(NB)
    blk_valid = blk_valid.reshape(NB)
    nb_used = nb_used.reshape(1)

    post = pos.reshape(NW, TPW, K).transpose(0, 2, 1)
    wpay = jnp.broadcast_to(probs.T[:, :, None], (K, T, 128))

    xs, ws = _sc_dispatch(x_flat, post, wpay)
    ys = _grouped_ffn(xs, ws, w1, w2, w3, blk_expert, blk_valid, nb_used)
    g0, g1 = _sc_combine(ys, post)
    return (g0 + g1).reshape(b, s, d)

# --- scband reference (transcript-rebuilt; emitter-appended) ---
"""Pipeline reference for scband-mo-efeed-forward-87007447482518 (READ-ONLY COPY).

The authoritative reference and input builder live on the scoring server;
editing this copy changes nothing except your own understanding.
"""

import jax, jax.numpy as jnp
import numpy as np

B, S, EMB = 1, 2048, 1024
HID = 2816
E = 8
TOPK = 2


def setup_inputs(seed: int = 0) -> dict:
    key = jax.random.key(seed)
    k1, k2, k3, k4, k5 = jax.random.split(key, 5)
    x = jax.random.normal(k1, (B, S, EMB), dtype=jnp.float32)
    # nn.Linear weights: shape (out_features, in_features), kaiming-ish scale
    gate_w = jax.random.normal(k2, (E, EMB), dtype=jnp.float32) * (EMB ** -0.5)
    w1 = jax.random.normal(k3, (E, HID, EMB), dtype=jnp.float32) * (EMB ** -0.5)
    w2 = jax.random.normal(k4, (E, HID, EMB), dtype=jnp.float32) * (EMB ** -0.5)
    w3 = jax.random.normal(k5, (E, EMB, HID), dtype=jnp.float32) * (HID ** -0.5)
    return {"x": x, "gate_w": gate_w, "w1": w1, "w2": w2, "w3": w3}


def reference(x, gate_w, w1, w2, w3):
    b, s, d = x.shape
    x_flat = x.reshape(b * s, d)
    # gate: scores over experts
    scores = x_flat @ gate_w.T                      # [T, E]
    topk_scores, topk_idx = jax.lax.top_k(scores, TOPK)  # [T, K]
    topk_probs = jax.nn.softmax(topk_scores, axis=-1)    # [T, K]
    # combine weights per (token, expert); top-k indices are distinct so at
    # most one slot per expert -> identical math to torch's slot-gather.
    one_hot = jax.nn.one_hot(topk_idx, E, dtype=x_flat.dtype)   # [T, K, E]
    combine = jnp.einsum('tk,tke->te', topk_probs, one_hot)     # [T, E]
    # SwiGLU experts, computed densely; tokens not routed to an expert get
    # combine weight 0, so the result equals the sparse torch dispatch.
    h = jnp.einsum('td,ehd->teh', x_flat, w1)       # fc1
    g = jnp.einsum('td,ehd->teh', x_flat, w2)       # fc2
    act = jax.nn.silu(h) * g
    y = jnp.einsum('teh,edh->ted', act, w3)         # fc3
    out_flat = jnp.einsum('ted,te->td', y, combine) # weighted scatter-add
    return out_flat.reshape(b, s, d)

if __name__ == "__main__":
    import jax
    _d = setup_inputs()
    print(jax.jit(kernel)(*tuple(_d.values())))

</pallas_src>

<mosaic_0001>
#map = affine_map<(d0, d1) -> (0, 0)>
#map1 = affine_map<(d0, d1) -> (0, 0, 0)>
module attributes {stable_mosaic.version = 14 : i64} {
  func.func @dispatch(%arg0: i32, %arg1: i32, %arg2: memref<2048x1024xf32, #tpu.memory_space<hbm>>, %arg3: memref<32x2x64xi32, #tpu.memory_space<hbm>>, %arg4: memref<2x2048x128xf32, #tpu.memory_space<hbm>>, %arg5: memref<6144x1024xf32, #tpu.memory_space<hbm>>, %arg6: memref<6144x128xf32, #tpu.memory_space<hbm>>, %arg7: memref<64x1024xf32, #tpu.memory_space<vmem>>, %arg8: memref<64x128xf32, #tpu.memory_space<vmem>>, %arg9: memref<64xi32, #tpu.memory_space<vmem>>, %arg10: memref<!tpu.dma_semaphore, #tpu.memory_space<semaphore_mem>>) attributes {dimension_semantics = [#tpu.dimension_semantics<core_parallel>, #tpu.dimension_semantics<subcore_parallel>], iteration_bounds = array<i64: 2, 16>, scalar_prefetch = 0 : i64, scratch_operands = 4 : i64, tpu.core_type = #tpu.core_type<sc_vector_subcore>, window_params = [{transform_indices = #map}, {transform_indices = #map1}, {transform_indices = #map1}, {transform_indices = #map}, {transform_indices = #map}]} {
    %mul3A = arith.constant 2 : i32
    %mul3A_0 = arith.muli %arg1, %mul3A : i32
    %add3A = arith.addi %mul3A_0, %arg0 : i32
    %mul3A_1 = arith.constant 64 : i32
    %mul3A_2 = arith.muli %add3A, %mul3A_1 : i32
    "tpu.region"() ({
      %run_scoped3A_28 = tpu.sem_alloc : memref<!tpu.dma_semaphore, #tpu.memory_space<semaphore_mem>>
      %dma_start3A_29 = arith.constant 0 : i32
      %dma_start3A_30 = tpu.memref_slice %arg2[%mul3A_2, %dma_start3A_29] : memref<2048x1024xf32, #tpu.memory_space<hbm>> -> memref<64x1024xf32, #tpu.memory_space<hbm>>
      %dma_start3A_31 = arith.constant 0 : i32
      %dma_start3A_32 = tpu.memref_slice %arg2[%mul3A_2, %dma_start3A_31] : memref<2048x1024xf32, #tpu.memory_space<hbm>> -> memref<64x1024xf32, #tpu.memory_space<hbm>>
      tpu.enqueue_dma source(%dma_start3A_32 : memref<64x1024xf32, #tpu.memory_space<hbm>>) target(%arg7 : memref<64x1024xf32, #tpu.memory_space<vmem>>) target_semaphore(%run_scoped3A_28 : memref<!tpu.dma_semaphore, #tpu.memory_space<semaphore_mem>>)
      %dma_wait3A_33 = arith.constant 0 : i32
      %dma_wait3A_34 = tpu.memref_slice %arg2[%mul3A_2, %dma_wait3A_33] : memref<2048x1024xf32, #tpu.memory_space<hbm>> -> memref<64x1024xf32, #tpu.memory_space<hbm>>
      %dma_wait3A_35 = arith.constant 0 : i32
      %dma_wait3A_36 = tpu.memref_slice %arg2[%mul3A_2, %dma_wait3A_35] : memref<2048x1024xf32, #tpu.memory_space<hbm>> -> memref<64x1024xf32, #tpu.memory_space<hbm>>
      tpu.wait_dma2 semaphore(%run_scoped3A_28 : memref<!tpu.dma_semaphore, #tpu.memory_space<semaphore_mem>>) src(%dma_wait3A_36 : memref<64x1024xf32, #tpu.memory_space<hbm>>) dst(%arg7 : memref<64x1024xf32, #tpu.memory_space<vmem>>)
      tpu.yield
    }) : () -> ()
    %run_scoped3A = arith.constant 0 : i32
    "tpu.region"() ({
      %run_scoped3A_28 = tpu.sem_alloc : memref<!tpu.dma_semaphore, #tpu.memory_space<semaphore_mem>>
      %dma_start3A_29 = arith.constant 0 : i32
      %dma_start3A_30 = tpu.memref_slice %arg3[%add3A, %run_scoped3A, %dma_start3A_29] : memref<32x2x64xi32, #tpu.memory_space<hbm>> -> memref<1x1x64xi32, #tpu.memory_space<hbm>>
      %dma_start3A_31 = tpu.memref_squeeze %dma_start3A_30 : memref<1x1x64xi32, #tpu.memory_space<hbm>> -> memref<64xi32, #tpu.memory_space<hbm>>
      %dma_start3A_32 = arith.constant 0 : i32
      %dma_start3A_33 = tpu.memref_slice %arg3[%add3A, %run_scoped3A, %dma_start3A_32] : memref<32x2x64xi32, #tpu.memory_space<hbm>> -> memref<1x1x64xi32, #tpu.memory_space<hbm>>
      %dma_start3A_34 = tpu.memref_squeeze %dma_start3A_33 : memref<1x1x64xi32, #tpu.memory_space<hbm>> -> memref<64xi32, #tpu.memory_space<hbm>>
      tpu.enqueue_dma source(%dma_start3A_34 : memref<64xi32, #tpu.memory_space<hbm>>) target(%arg9 : memref<64xi32, #tpu.memory_space<vmem>>) target_semaphore(%run_scoped3A_28 : memref<!tpu.dma_semaphore, #tpu.memory_space<semaphore_mem>>)
      %dma_wait3A_35 = arith.constant 0 : i32
      %dma_wait3A_36 = tpu.memref_slice %arg3[%add3A, %run_scoped3A, %dma_wait3A_35] : memref<32x2x64xi32, #tpu.memory_space<hbm>> -> memref<1x1x64xi32, #tpu.memory_space<hbm>>
      %dma_wait3A_37 = tpu.memref_squeeze %dma_wait3A_36 : memref<1x1x64xi32, #tpu.memory_space<hbm>> -> memref<64xi32, #tpu.memory_space<hbm>>
      %dma_wait3A_38 = arith.constant 0 : i32
      %dma_wait3A_39 = tpu.memref_slice %arg3[%add3A, %run_scoped3A, %dma_wait3A_38] : memref<32x2x64xi32, #tpu.memory_space<hbm>> -> memref<1x1x64xi32, #tpu.memory_space<hbm>>
      %dma_wait3A_40 = tpu.memref_squeeze %dma_wait3A_39 : memref<1x1x64xi32, #tpu.memory_space<hbm>> -> memref<64xi32, #tpu.memory_space<hbm>>
      tpu.wait_dma2 semaphore(%run_scoped3A_28 : memref<!tpu.dma_semaphore, #tpu.memory_space<semaphore_mem>>) src(%dma_wait3A_40 : memref<64xi32, #tpu.memory_space<hbm>>) dst(%arg9 : memref<64xi32, #tpu.memory_space<vmem>>)
      tpu.yield
    }) : () -> ()
    %dma_start3A = arith.constant 0 : i32
    %dma_start3A_3 = arith.constant 0 : i32
    %dma_start3A_4 = tpu.memref_slice %arg5[%dma_start3A, %dma_start3A_3] : memref<6144x1024xf32, #tpu.memory_space<hbm>> -> memref<6144x1024xf32, #tpu.memory_space<hbm>>
    tpu.enqueue_indirect_dma source(%arg7 : memref<64x1024xf32, #tpu.memory_space<vmem>>) target(%dma_start3A_4 : memref<6144x1024xf32, #tpu.memory_space<hbm>>) offsets(%arg9 : memref<64xi32, #tpu.memory_space<vmem>>) semaphore(%arg10 : memref<!tpu.dma_semaphore, #tpu.memory_space<semaphore_mem>>)
    %dma_wait3A = arith.constant 0 : i32
    %dma_wait3A_5 = arith.constant 0 : i32
    %dma_wait3A_6 = tpu.memref_slice %arg5[%dma_wait3A, %dma_wait3A_5] : memref<6144x1024xf32, #tpu.memory_space<hbm>> -> memref<6144x1024xf32, #tpu.memory_space<hbm>>
    tpu.wait_indirect_dma semaphore(%arg10 : memref<!tpu.dma_semaphore, #tpu.memory_space<semaphore_mem>>) src(%arg7 : memref<64x1024xf32, #tpu.memory_space<vmem>>) dst(%dma_wait3A_6 : memref<6144x1024xf32, #tpu.memory_space<hbm>>)
    %run_scoped3A_7 = arith.constant 0 : i32
    "tpu.region"() ({
      %run_scoped3A_28 = tpu.sem_alloc : memref<!tpu.dma_semaphore, #tpu.memory_space<semaphore_mem>>
      %dma_start3A_29 = arith.constant 0 : i32
      %dma_start3A_30 = tpu.memref_slice %arg4[%run_scoped3A_7, %mul3A_2, %dma_start3A_29] : memref<2x2048x128xf32, #tpu.memory_space<hbm>> -> memref<1x64x128xf32, #tpu.memory_space<hbm>>
      %dma_start3A_31 = tpu.memref_squeeze %dma_start3A_30 : memref<1x64x128xf32, #tpu.memory_space<hbm>> -> memref<64x128xf32, #tpu.memory_space<hbm>>
      %dma_start3A_32 = arith.constant 0 : i32
      %dma_start3A_33 = tpu.memref_slice %arg4[%run_scoped3A_7, %mul3A_2, %dma_start3A_32] : memref<2x2048x128xf32, #tpu.memory_space<hbm>> -> memref<1x64x128xf32, #tpu.memory_space<hbm>>
      %dma_start3A_34 = tpu.memref_squeeze %dma_start3A_33 : memref<1x64x128xf32, #tpu.memory_space<hbm>> -> memref<64x128xf32, #tpu.memory_space<hbm>>
      tpu.enqueue_dma source(%dma_start3A_34 : memref<64x128xf32, #tpu.memory_space<hbm>>) target(%arg8 : memref<64x128xf32, #tpu.memory_space<vmem>>) target_semaphore(%run_scoped3A_28 : memref<!tpu.dma_semaphore, #tpu.memory_space<semaphore_mem>>)
      %dma_wait3A_35 = arith.constant 0 : i32
      %dma_wait3A_36 = tpu.memref_slice %arg4[%run_scoped3A_7, %mul3A_2, %dma_wait3A_35] : memref<2x2048x128xf32, #tpu.memory_space<hbm>> -> memref<1x64x128xf32, #tpu.memory_space<hbm>>
      %dma_wait3A_37 = tpu.memref_squeeze %dma_wait3A_36 : memref<1x64x128xf32, #tpu.memory_space<hbm>> -> memref<64x128xf32, #tpu.memory_space<hbm>>
      %dma_wait3A_38 = arith.constant 0 : i32
      %dma_wait3A_39 = tpu.memref_slice %arg4[%run_scoped3A_7, %mul3A_2, %dma_wait3A_38] : memref<2x2048x128xf32, #tpu.memory_space<hbm>> -> memref<1x64x128xf32, #tpu.memory_space<hbm>>
      %dma_wait3A_40 = tpu.memref_squeeze %dma_wait3A_39 : memref<1x64x128xf32, #tpu.memory_space<hbm>> -> memref<64x128xf32, #tpu.memory_space<hbm>>
      tpu.wait_dma2 semaphore(%run_scoped3A_28 : memref<!tpu.dma_semaphore, #tpu.memory_space<semaphore_mem>>) src(%dma_wait3A_40 : memref<64x128xf32, #tpu.memory_space<hbm>>) dst(%arg8 : memref<64x128xf32, #tpu.memory_space<vmem>>)
      tpu.yield
    }) : () -> ()
    %dma_start3A_8 = arith.constant 0 : i32
    %dma_start3A_9 = arith.constant 0 : i32
    %dma_start3A_10 = tpu.memref_slice %arg6[%dma_start3A_8, %dma_start3A_9] : memref<6144x128xf32, #tpu.memory_space<hbm>> -> memref<6144x128xf32, #tpu.memory_space<hbm>>
    tpu.enqueue_indirect_dma source(%arg8 : memref<64x128xf32, #tpu.memory_space<vmem>>) target(%dma_start3A_10 : memref<6144x128xf32, #tpu.memory_space<hbm>>) offsets(%arg9 : memref<64xi32, #tpu.memory_space<vmem>>) semaphore(%arg10 : memref<!tpu.dma_semaphore, #tpu.memory_space<semaphore_mem>>)
    %dma_wait3A_11 = arith.constant 0 : i32
    %dma_wait3A_12 = arith.constant 0 : i32
    %dma_wait3A_13 = tpu.memref_slice %arg6[%dma_wait3A_11, %dma_wait3A_12] : memref<6144x128xf32, #tpu.memory_space<hbm>> -> memref<6144x128xf32, #tpu.memory_space<hbm>>
    tpu.wait_indirect_dma semaphore(%arg10 : memref<!tpu.dma_semaphore, #tpu.memory_space<semaphore_mem>>) src(%arg8 : memref<64x128xf32, #tpu.memory_space<vmem>>) dst(%dma_wait3A_13 : memref<6144x128xf32, #tpu.memory_space<hbm>>)
    %run_scoped3A_14 = arith.constant 1 : i32
    "tpu.region"() ({
      %run_scoped3A_28 = tpu.sem_alloc : memref<!tpu.dma_semaphore, #tpu.memory_space<semaphore_mem>>
      %dma_start3A_29 = arith.constant 0 : i32
      %dma_start3A_30 = tpu.memref_slice %arg3[%add3A, %run_scoped3A_14, %dma_start3A_29] : memref<32x2x64xi32, #tpu.memory_space<hbm>> -> memref<1x1x64xi32, #tpu.memory_space<hbm>>
      %dma_start3A_31 = tpu.memref_squeeze %dma_start3A_30 : memref<1x1x64xi32, #tpu.memory_space<hbm>> -> memref<64xi32, #tpu.memory_space<hbm>>
      %dma_start3A_32 = arith.constant 0 : i32
      %dma_start3A_33 = tpu.memref_slice %arg3[%add3A, %run_scoped3A_14, %dma_start3A_32] : memref<32x2x64xi32, #tpu.memory_space<hbm>> -> memref<1x1x64xi32, #tpu.memory_space<hbm>>
      %dma_start3A_34 = tpu.memref_squeeze %dma_start3A_33 : memref<1x1x64xi32, #tpu.memory_space<hbm>> -> memref<64xi32, #tpu.memory_space<hbm>>
      tpu.enqueue_dma source(%dma_start3A_34 : memref<64xi32, #tpu.memory_space<hbm>>) target(%arg9 : memref<64xi32, #tpu.memory_space<vmem>>) target_semaphore(%run_scoped3A_28 : memref<!tpu.dma_semaphore, #tpu.memory_space<semaphore_mem>>)
      %dma_wait3A_35 = arith.constant 0 : i32
      %dma_wait3A_36 = tpu.memref_slice %arg3[%add3A, %run_scoped3A_14, %dma_wait3A_35] : memref<32x2x64xi32, #tpu.memory_space<hbm>> -> memref<1x1x64xi32, #tpu.memory_space<hbm>>
      %dma_wait3A_37 = tpu.memref_squeeze %dma_wait3A_36 : memref<1x1x64xi32, #tpu.memory_space<hbm>> -> memref<64xi32, #tpu.memory_space<hbm>>
      %dma_wait3A_38 = arith.constant 0 : i32
      %dma_wait3A_39 = tpu.memref_slice %arg3[%add3A, %run_scoped3A_14, %dma_wait3A_38] : memref<32x2x64xi32, #tpu.memory_space<hbm>> -> memref<1x1x64xi32, #tpu.memory_space<hbm>>
      %dma_wait3A_40 = tpu.memref_squeeze %dma_wait3A_39 : memref<1x1x64xi32, #tpu.memory_space<hbm>> -> memref<64xi32, #tpu.memory_space<hbm>>
      tpu.wait_dma2 semaphore(%run_scoped3A_28 : memref<!tpu.dma_semaphore, #tpu.memory_space<semaphore_mem>>) src(%dma_wait3A_40 : memref<64xi32, #tpu.memory_space<hbm>>) dst(%arg9 : memref<64xi32, #tpu.memory_space<vmem>>)
      tpu.yield
    }) : () -> ()
    %dma_start3A_15 = arith.constant 0 : i32
    %dma_start3A_16 = arith.constant 0 : i32
    %dma_start3A_17 = tpu.memref_slice %arg5[%dma_start3A_15, %dma_start3A_16] : memref<6144x1024xf32, #tpu.memory_space<hbm>> -> memref<6144x1024xf32, #tpu.memory_space<hbm>>
    tpu.enqueue_indirect_dma source(%arg7 : memref<64x1024xf32, #tpu.memory_space<vmem>>) target(%dma_start3A_17 : memref<6144x1024xf32, #tpu.memory_space<hbm>>) offsets(%arg9 : memref<64xi32, #tpu.memory_space<vmem>>) semaphore(%arg10 : memref<!tpu.dma_semaphore, #tpu.memory_space<semaphore_mem>>)
    %dma_wait3A_18 = arith.constant 0 : i32
    %dma_wait3A_19 = arith.constant 0 : i32
    %dma_wait3A_20 = tpu.memref_slice %arg5[%dma_wait3A_18, %dma_wait3A_19] : memref<6144x1024xf32, #tpu.memory_space<hbm>> -> memref<6144x1024xf32, #tpu.memory_space<hbm>>
    tpu.wait_indirect_dma semaphore(%arg10 : memref<!tpu.dma_semaphore, #tpu.memory_space<semaphore_mem>>) src(%arg7 : memref<64x1024xf32, #tpu.memory_space<vmem>>) dst(%dma_wait3A_20 : memref<6144x1024xf32, #tpu.memory_space<hbm>>)
    %run_scoped3A_21 = arith.constant 1 : i32
    "tpu.region"() ({
      %run_scoped3A_28 = tpu.sem_alloc : memref<!tpu.dma_semaphore, #tpu.memory_space<semaphore_mem>>
      %dma_start3A_29 = arith.constant 0 : i32
      %dma_start3A_30 = tpu.memref_slice %arg4[%run_scoped3A_21, %mul3A_2, %dma_start3A_29] : memref<2x2048x128xf32, #tpu.memory_space<hbm>> -> memref<1x64x128xf32, #tpu.memory_space<hbm>>
      %dma_start3A_31 = tpu.memref_squeeze %dma_start3A_30 : memref<1x64x128xf32, #tpu.memory_space<hbm>> -> memref<64x128xf32, #tpu.memory_space<hbm>>
      %dma_start3A_32 = arith.constant 0 : i32
      %dma_start3A_33 = tpu.memref_slice %arg4[%run_scoped3A_21, %mul3A_2, %dma_start3A_32] : memref<2x2048x128xf32, #tpu.memory_space<hbm>> -> memref<1x64x128xf32, #tpu.memory_space<hbm>>
      %dma_start3A_34 = tpu.memref_squeeze %dma_start3A_33 : memref<1x64x128xf32, #tpu.memory_space<hbm>> -> memref<64x128xf32, #tpu.memory_space<hbm>>
      tpu.enqueue_dma source(%dma_start3A_34 : memref<64x128xf32, #tpu.memory_space<hbm>>) target(%arg8 : memref<64x128xf32, #tpu.memory_space<vmem>>) target_semaphore(%run_scoped3A_28 : memref<!tpu.dma_semaphore, #tpu.memory_space<semaphore_mem>>)
      %dma_wait3A_35 = arith.constant 0 : i32
      %dma_wait3A_36 = tpu.memref_slice %arg4[%run_scoped3A_21, %mul3A_2, %dma_wait3A_35] : memref<2x2048x128xf32, #tpu.memory_space<hbm>> -> memref<1x64x128xf32, #tpu.memory_space<hbm>>
      %dma_wait3A_37 = tpu.memref_squeeze %dma_wait3A_36 : memref<1x64x128xf32, #tpu.memory_space<hbm>> -> memref<64x128xf32, #tpu.memory_space<hbm>>
      %dma_wait3A_38 = arith.constant 0 : i32
      %dma_wait3A_39 = tpu.memref_slice %arg4[%run_scoped3A_21, %mul3A_2, %dma_wait3A_38] : memref<2x2048x128xf32, #tpu.memory_space<hbm>> -> memref<1x64x128xf32, #tpu.memory_space<hbm>>
      %dma_wait3A_40 = tpu.memref_squeeze %dma_wait3A_39 : memref<1x64x128xf32, #tpu.memory_space<hbm>> -> memref<64x128xf32, #tpu.memory_space<hbm>>
      tpu.wait_dma2 semaphore(%run_scoped3A_28 : memref<!tpu.dma_semaphore, #tpu.memory_space<semaphore_mem>>) src(%dma_wait3A_40 : memref<64x128xf32, #tpu.memory_space<hbm>>) dst(%arg8 : memref<64x128xf32, #tpu.memory_space<vmem>>)
      tpu.yield
    }) : () -> ()
    %dma_start3A_22 = arith.constant 0 : i32
    %dma_start3A_23 = arith.constant 0 : i32
    %dma_start3A_24 = tpu.memref_slice %arg6[%dma_start3A_22, %dma_start3A_23] : memref<6144x128xf32, #tpu.memory_space<hbm>> -> memref<6144x128xf32, #tpu.memory_space<hbm>>
    tpu.enqueue_indirect_dma source(%arg8 : memref<64x128xf32, #tpu.memory_space<vmem>>) target(%dma_start3A_24 : memref<6144x128xf32, #tpu.memory_space<hbm>>) offsets(%arg9 : memref<64xi32, #tpu.memory_space<vmem>>) semaphore(%arg10 : memref<!tpu.dma_semaphore, #tpu.memory_space<semaphore_mem>>)
    %dma_wait3A_25 = arith.constant 0 : i32
    %dma_wait3A_26 = arith.constant 0 : i32
    %dma_wait3A_27 = tpu.memref_slice %arg6[%dma_wait3A_25, %dma_wait3A_26] : memref<6144x128xf32, #tpu.memory_space<hbm>> -> memref<6144x128xf32, #tpu.memory_space<hbm>>
    tpu.wait_indirect_dma semaphore(%arg10 : memref<!tpu.dma_semaphore, #tpu.memory_space<semaphore_mem>>) src(%arg8 : memref<64x128xf32, #tpu.memory_space<vmem>>) dst(%dma_wait3A_27 : memref<6144x128xf32, #tpu.memory_space<hbm>>)
    return
  }
}

#map = affine_map<(d0, d1) -> (0, 0)>
#map1 = affine_map<(d0, d1) -> (0, 0, 0)>
module attributes {stable_mosaic.version = 14 : i64} {
  func.func @combine(%arg0: i32, %arg1: i32, %arg2: memref<6144x1024xf32, #tpu.memory_space<hbm>>, %arg3: memref<32x2x64xi32, #tpu.memory_space<hbm>>, %arg4: memref<2048x1024xf32, #tpu.memory_space<hbm>>, %arg5: memref<2048x1024xf32, #tpu.memory_space<hbm>>, %arg6: memref<64x1024xf32, #tpu.memory_space<vmem>>, %arg7: memref<64xi32, #tpu.memory_space<vmem>>, %arg8: memref<!tpu.dma_semaphore, #tpu.memory_space<semaphore_mem>>) attributes {dimension_semantics = [#tpu.dimension_semantics<core_parallel>, #tpu.dimension_semantics<subcore_parallel>], iteration_bounds = array<i64: 2, 16>, scalar_prefetch = 0 : i64, scratch_operands = 3 : i64, tpu.core_type = #tpu.core_type<sc_vector_subcore>, window_params = [{transform_indices = #map}, {transform_indices = #map1}, {transform_indices = #map}, {transform_indices = #map}]} {
    %mul3A = arith.constant 2 : i32
    %mul3A_0 = arith.muli %arg1, %mul3A : i32
    %add3A = arith.addi %mul3A_0, %arg0 : i32
    %mul3A_1 = arith.constant 64 : i32
    %mul3A_2 = arith.muli %add3A, %mul3A_1 : i32
    %run_scoped3A = arith.constant 0 : i32
    "tpu.region"() ({
      %run_scoped3A_14 = tpu.sem_alloc : memref<!tpu.dma_semaphore, #tpu.memory_space<semaphore_mem>>
      %dma_start3A_15 = arith.constant 0 : i32
      %dma_start3A_16 = tpu.memref_slice %arg3[%add3A, %run_scoped3A, %dma_start3A_15] : memref<32x2x64xi32, #tpu.memory_space<hbm>> -> memref<1x1x64xi32, #tpu.memory_space<hbm>>
      %dma_start3A_17 = tpu.memref_squeeze %dma_start3A_16 : memref<1x1x64xi32, #tpu.memory_space<hbm>> -> memref<64xi32, #tpu.memory_space<hbm>>
      %dma_start3A_18 = arith.constant 0 : i32
      %dma_start3A_19 = tpu.memref_slice %arg3[%add3A, %run_scoped3A, %dma_start3A_18] : memref<32x2x64xi32, #tpu.memory_space<hbm>> -> memref<1x1x64xi32, #tpu.memory_space<hbm>>
      %dma_start3A_20 = tpu.memref_squeeze %dma_start3A_19 : memref<1x1x64xi32, #tpu.memory_space<hbm>> -> memref<64xi32, #tpu.memory_space<hbm>>
      tpu.enqueue_dma source(%dma_start3A_20 : memref<64xi32, #tpu.memory_space<hbm>>) target(%arg7 : memref<64xi32, #tpu.memory_space<vmem>>) target_semaphore(%run_scoped3A_14 : memref<!tpu.dma_semaphore, #tpu.memory_space<semaphore_mem>>)
      %dma_wait3A_21 = arith.constant 0 : i32
      %dma_wait3A_22 = tpu.memref_slice %arg3[%add3A, %run_scoped3A, %dma_wait3A_21] : memref<32x2x64xi32, #tpu.memory_space<hbm>> -> memref<1x1x64xi32, #tpu.memory_space<hbm>>
      %dma_wait3A_23 = tpu.memref_squeeze %dma_wait3A_22 : memref<1x1x64xi32, #tpu.memory_space<hbm>> -> memref<64xi32, #tpu.memory_space<hbm>>
      %dma_wait3A_24 = arith.constant 0 : i32
      %dma_wait3A_25 = tpu.memref_slice %arg3[%add3A, %run_scoped3A, %dma_wait3A_24] : memref<32x2x64xi32, #tpu.memory_space<hbm>> -> memref<1x1x64xi32, #tpu.memory_space<hbm>>
      %dma_wait3A_26 = tpu.memref_squeeze %dma_wait3A_25 : memref<1x1x64xi32, #tpu.memory_space<hbm>> -> memref<64xi32, #tpu.memory_space<hbm>>
      tpu.wait_dma2 semaphore(%run_scoped3A_14 : memref<!tpu.dma_semaphore, #tpu.memory_space<semaphore_mem>>) src(%dma_wait3A_26 : memref<64xi32, #tpu.memory_space<hbm>>) dst(%arg7 : memref<64xi32, #tpu.memory_space<vmem>>)
      tpu.yield
    }) : () -> ()
    %dma_start3A = arith.constant 0 : i32
    %dma_start3A_3 = arith.constant 0 : i32
    %dma_start3A_4 = tpu.memref_slice %arg2[%dma_start3A, %dma_start3A_3] : memref<6144x1024xf32, #tpu.memory_space<hbm>> -> memref<6144x1024xf32, #tpu.memory_space<hbm>>
    tpu.enqueue_indirect_dma source(%dma_start3A_4 : memref<6144x1024xf32, #tpu.memory_space<hbm>>) target(%arg6 : memref<64x1024xf32, #tpu.memory_space<vmem>>) offsets(%arg7 : memref<64xi32, #tpu.memory_space<vmem>>) semaphore(%arg8 : memref<!tpu.dma_semaphore, #tpu.memory_space<semaphore_mem>>)
    %dma_wait3A = arith.constant 0 : i32
    %dma_wait3A_5 = arith.constant 0 : i32
    %dma_wait3A_6 = tpu.memref_slice %arg2[%dma_wait3A, %dma_wait3A_5] : memref<6144x1024xf32, #tpu.memory_space<hbm>> -> memref<6144x1024xf32, #tpu.memory_space<hbm>>
    tpu.wait_indirect_dma semaphore(%arg8 : memref<!tpu.dma_semaphore, #tpu.memory_space<semaphore_mem>>) src(%dma_wait3A_6 : memref<6144x1024xf32, #tpu.memory_space<hbm>>) dst(%arg6 : memref<64x1024xf32, #tpu.memory_space<vmem>>)
    "tpu.region"() ({
      %run_scoped3A_14 = tpu.sem_alloc : memref<!tpu.dma_semaphore, #tpu.memory_space<semaphore_mem>>
      %dma_start3A_15 = arith.constant 0 : i32
      %dma_start3A_16 = tpu.memref_slice %arg4[%mul3A_2, %dma_start3A_15] : memref<2048x1024xf32, #tpu.memory_space<hbm>> -> memref<64x1024xf32, #tpu.memory_space<hbm>>
      %dma_start3A_17 = arith.constant 0 : i32
      %dma_start3A_18 = tpu.memref_slice %arg4[%mul3A_2, %dma_start3A_17] : memref<2048x1024xf32, #tpu.memory_space<hbm>> -> memref<64x1024xf32, #tpu.memory_space<hbm>>
      tpu.enqueue_dma source(%arg6 : memref<64x1024xf32, #tpu.memory_space<vmem>>) target(%dma_start3A_18 : memref<64x1024xf32, #tpu.memory_space<hbm>>) target_semaphore(%run_scoped3A_14 : memref<!tpu.dma_semaphore, #tpu.memory_space<semaphore_mem>>)
      %dma_wait3A_19 = arith.constant 0 : i32
      %dma_wait3A_20 = tpu.memref_slice %arg4[%mul3A_2, %dma_wait3A_19] : memref<2048x1024xf32, #tpu.memory_space<hbm>> -> memref<64x1024xf32, #tpu.memory_space<hbm>>
      %dma_wait3A_21 = arith.constant 0 : i32
      %dma_wait3A_22 = tpu.memref_slice %arg4[%mul3A_2, %dma_wait3A_21] : memref<2048x1024xf32, #tpu.memory_space<hbm>> -> memref<64x1024xf32, #tpu.memory_space<hbm>>
      tpu.wait_dma2 semaphore(%run_scoped3A_14 : memref<!tpu.dma_semaphore, #tpu.memory_space<semaphore_mem>>) src(%arg6 : memref<64x1024xf32, #tpu.memory_space<vmem>>) dst(%dma_wait3A_22 : memref<64x1024xf32, #tpu.memory_space<hbm>>)
      tpu.yield
    }) : () -> ()
    %run_scoped3A_7 = arith.constant 1 : i32
    "tpu.region"() ({
      %run_scoped3A_14 = tpu.sem_alloc : memref<!tpu.dma_semaphore, #tpu.memory_space<semaphore_mem>>
      %dma_start3A_15 = arith.constant 0 : i32
      %dma_start3A_16 = tpu.memref_slice %arg3[%add3A, %run_scoped3A_7, %dma_start3A_15] : memref<32x2x64xi32, #tpu.memory_space<hbm>> -> memref<1x1x64xi32, #tpu.memory_space<hbm>>
      %dma_start3A_17 = tpu.memref_squeeze %dma_start3A_16 : memref<1x1x64xi32, #tpu.memory_space<hbm>> -> memref<64xi32, #tpu.memory_space<hbm>>
      %dma_start3A_18 = arith.constant 0 : i32
      %dma_start3A_19 = tpu.memref_slice %arg3[%add3A, %run_scoped3A_7, %dma_start3A_18] : memref<32x2x64xi32, #tpu.memory_space<hbm>> -> memref<1x1x64xi32, #tpu.memory_space<hbm>>
      %dma_start3A_20 = tpu.memref_squeeze %dma_start3A_19 : memref<1x1x64xi32, #tpu.memory_space<hbm>> -> memref<64xi32, #tpu.memory_space<hbm>>
      tpu.enqueue_dma source(%dma_start3A_20 : memref<64xi32, #tpu.memory_space<hbm>>) target(%arg7 : memref<64xi32, #tpu.memory_space<vmem>>) target_semaphore(%run_scoped3A_14 : memref<!tpu.dma_semaphore, #tpu.memory_space<semaphore_mem>>)
      %dma_wait3A_21 = arith.constant 0 : i32
      %dma_wait3A_22 = tpu.memref_slice %arg3[%add3A, %run_scoped3A_7, %dma_wait3A_21] : memref<32x2x64xi32, #tpu.memory_space<hbm>> -> memref<1x1x64xi32, #tpu.memory_space<hbm>>
      %dma_wait3A_23 = tpu.memref_squeeze %dma_wait3A_22 : memref<1x1x64xi32, #tpu.memory_space<hbm>> -> memref<64xi32, #tpu.memory_space<hbm>>
      %dma_wait3A_24 = arith.constant 0 : i32
      %dma_wait3A_25 = tpu.memref_slice %arg3[%add3A, %run_scoped3A_7, %dma_wait3A_24] : memref<32x2x64xi32, #tpu.memory_space<hbm>> -> memref<1x1x64xi32, #tpu.memory_space<hbm>>
      %dma_wait3A_26 = tpu.memref_squeeze %dma_wait3A_25 : memref<1x1x64xi32, #tpu.memory_space<hbm>> -> memref<64xi32, #tpu.memory_space<hbm>>
      tpu.wait_dma2 semaphore(%run_scoped3A_14 : memref<!tpu.dma_semaphore, #tpu.memory_space<semaphore_mem>>) src(%dma_wait3A_26 : memref<64xi32, #tpu.memory_space<hbm>>) dst(%arg7 : memref<64xi32, #tpu.memory_space<vmem>>)
      tpu.yield
    }) : () -> ()
    %dma_start3A_8 = arith.constant 0 : i32
    %dma_start3A_9 = arith.constant 0 : i32
    %dma_start3A_10 = tpu.memref_slice %arg2[%dma_start3A_8, %dma_start3A_9] : memref<6144x1024xf32, #tpu.memory_space<hbm>> -> memref<6144x1024xf32, #tpu.memory_space<hbm>>
    tpu.enqueue_indirect_dma source(%dma_start3A_10 : memref<6144x1024xf32, #tpu.memory_space<hbm>>) target(%arg6 : memref<64x1024xf32, #tpu.memory_space<vmem>>) offsets(%arg7 : memref<64xi32, #tpu.memory_space<vmem>>) semaphore(%arg8 : memref<!tpu.dma_semaphore, #tpu.memory_space<semaphore_mem>>)
    %dma_wait3A_11 = arith.constant 0 : i32
    %dma_wait3A_12 = arith.constant 0 : i32
    %dma_wait3A_13 = tpu.memref_slice %arg2[%dma_wait3A_11, %dma_wait3A_12] : memref<6144x1024xf32, #tpu.memory_space<hbm>> -> memref<6144x1024xf32, #tpu.memory_space<hbm>>
    tpu.wait_indirect_dma semaphore(%arg8 : memref<!tpu.dma_semaphore, #tpu.memory_space<semaphore_mem>>) src(%dma_wait3A_13 : memref<6144x1024xf32, #tpu.memory_space<hbm>>) dst(%arg6 : memref<64x1024xf32, #tpu.memory_space<vmem>>)
    "tpu.region"() ({
      %run_scoped3A_14 = tpu.sem_alloc : memref<!tpu.dma_semaphore, #tpu.memory_space<semaphore_mem>>
      %dma_start3A_15 = arith.constant 0 : i32
      %dma_start3A_16 = tpu.memref_slice %arg5[%mul3A_2, %dma_start3A_15] : memref<2048x1024xf32, #tpu.memory_space<hbm>> -> memref<64x1024xf32, #tpu.memory_space<hbm>>
      %dma_start3A_17 = arith.constant 0 : i32
      %dma_start3A_18 = tpu.memref_slice %arg5[%mul3A_2, %dma_start3A_17] : memref<2048x1024xf32, #tpu.memory_space<hbm>> -> memref<64x1024xf32, #tpu.memory_space<hbm>>
      tpu.enqueue_dma source(%arg6 : memref<64x1024xf32, #tpu.memory_space<vmem>>) target(%dma_start3A_18 : memref<64x1024xf32, #tpu.memory_space<hbm>>) target_semaphore(%run_scoped3A_14 : memref<!tpu.dma_semaphore, #tpu.memory_space<semaphore_mem>>)
      %dma_wait3A_19 = arith.constant 0 : i32
      %dma_wait3A_20 = tpu.memref_slice %arg5[%mul3A_2, %dma_wait3A_19] : memref<2048x1024xf32, #tpu.memory_space<hbm>> -> memref<64x1024xf32, #tpu.memory_space<hbm>>
      %dma_wait3A_21 = arith.constant 0 : i32
      %dma_wait3A_22 = tpu.memref_slice %arg5[%mul3A_2, %dma_wait3A_21] : memref<2048x1024xf32, #tpu.memory_space<hbm>> -> memref<64x1024xf32, #tpu.memory_space<hbm>>
      tpu.wait_dma2 semaphore(%run_scoped3A_14 : memref<!tpu.dma_semaphore, #tpu.memory_space<semaphore_mem>>) src(%arg6 : memref<64x1024xf32, #tpu.memory_space<vmem>>) dst(%dma_wait3A_22 : memref<64x1024xf32, #tpu.memory_space<hbm>>)
      tpu.yield
    }) : () -> ()
    return
  }
}

module attributes {stable_mosaic.version = 14 : i64} {
  func.func @_gating_kernel(%arg0: memref<2048x8xf32, #tpu.memory_space<vmem>>, %arg1: memref<2048x2xi32, #tpu.memory_space<vmem>>, %arg2: memref<2048x2xf32, #tpu.memory_space<vmem>>, %arg3: memref<24x1xi32, #tpu.memory_space<vmem>>, %arg4: memref<24x1xi32, #tpu.memory_space<vmem>>, %arg5: memref<1x1xi32, #tpu.memory_space<vmem>>) attributes {dimension_semantics = [], scalar_prefetch = 0 : i64, scratch_operands = 0 : i64, tpu.core_type = #tpu.core_type<tc>} {
    %get3A = arith.constant 0 : index
    %get3A_0 = arith.constant 0 : index
    %get3A_1 = vector.load %arg0[%get3A, %get3A_0] : memref<2048x8xf32, #tpu.memory_space<vmem>>, vector<2048x8xf32>
    %iota3A = tpu.iota {dimensions = array<i32: 1>} : vector<2048x8xi32>
    %reduce_max3A = arith.constant dense<0xFF800000> : vector<2048xf32>
    %reduce_max3A_2 = vector.multi_reduction <maximumf>, %get3A_1, %reduce_max3A [1] : vector<2048x8xf32> to vector<2048xf32>
    %broadcast_in_dim3A = vector.shape_cast %reduce_max3A_2 : vector<2048xf32> to vector<2048x1xf32>
    %eq3A = vector.broadcast %broadcast_in_dim3A : vector<2048x1xf32> to vector<2048x8xf32>
    %eq3A_3 = arith.cmpf oeq, %get3A_1, %eq3A : vector<2048x8xf32>
    %jit3A = arith.constant 8 : i32
    %broadcast_in_dim3A_4 = vector.broadcast %jit3A : i32 to vector<2048x8xi32>
    %select_n3A = arith.select %eq3A_3, %iota3A, %broadcast_in_dim3A_4 : vector<2048x8xi1>, vector<2048x8xi32>
    %reduce_min3A = arith.constant dense<2147483647> : vector<2048xi32>
    %reduce_min3A_5 = vector.multi_reduction <minsi>, %select_n3A, %reduce_min3A [1] : vector<2048x8xi32> to vector<2048xi32>
    %broadcast_in_dim3A_6 = vector.shape_cast %reduce_min3A_5 : vector<2048xi32> to vector<2048x1xi32>
    %eq3A_7 = vector.broadcast %broadcast_in_dim3A_6 : vector<2048x1xi32> to vector<2048x8xi32>
    %eq3A_8 = arith.cmpi eq, %iota3A, %eq3A_7 : vector<2048x8xi32>
    %jit3A_9 = arith.constant 0xFF800000 : f32
    %broadcast_in_dim3A_10 = vector.broadcast %jit3A_9 : f32 to vector<2048x8xf32>
    %select_n3A_11 = arith.select %eq3A_8, %broadcast_in_dim3A_10, %get3A_1 : vector<2048x8xi1>, vector<2048x8xf32>
    %reduce_max3A_12 = arith.constant dense<0xFF800000> : vector<2048xf32>
    %reduce_max3A_13 = vector.multi_reduction <maximumf>, %select_n3A_11, %reduce_max3A_12 [1] : vector<2048x8xf32> to vector<2048xf32>
    %broadcast_in_dim3A_14 = vector.shape_cast %reduce_max3A_13 : vector<2048xf32> to vector<2048x1xf32>
    %eq3A_15 = vector.broadcast %broadcast_in_dim3A_14 : vector<2048x1xf32> to vector<2048x8xf32>
    %eq3A_16 = arith.cmpf oeq, %select_n3A_11, %eq3A_15 : vector<2048x8xf32>
    %jit3A_17 = arith.constant 8 : i32
    %broadcast_in_dim3A_18 = vector.broadcast %jit3A_17 : i32 to vector<2048x8xi32>
    %select_n3A_19 = arith.select %eq3A_16, %iota3A, %broadcast_in_dim3A_18 : vector<2048x8xi1>, vector<2048x8xi32>
    %reduce_min3A_20 = arith.constant dense<2147483647> : vector<2048xi32>
    %reduce_min3A_21 = vector.multi_reduction <minsi>, %select_n3A_19, %reduce_min3A_20 [1] : vector<2048x8xi32> to vector<2048xi32>
    %broadcast_in_dim3A_22 = vector.shape_cast %reduce_min3A_21 : vector<2048xi32> to vector<2048x1xi32>
    %eq3A_23 = vector.broadcast %broadcast_in_dim3A_22 : vector<2048x1xi32> to vector<2048x8xi32>
    %eq3A_24 = arith.cmpi eq, %iota3A, %eq3A_23 : vector<2048x8xi32>
    %sub3A = arith.subf %broadcast_in_dim3A_14, %broadcast_in_dim3A : vector<2048x1xf32>
    %exp3A = math.exp %sub3A : vector<2048x1xf32>
    %add3A = arith.constant 1.000000e+00 : f32
    %add3A_25 = vector.broadcast %add3A : f32 to vector<2048x1xf32>
    %add3A_26 = arith.addf %add3A_25, %exp3A : vector<2048x1xf32>
    %div3A = arith.constant 1.000000e+00 : f32
    %div3A_27 = vector.broadcast %div3A : f32 to vector<2048x1xf32>
    %div3A_28 = arith.divf %div3A_27, %add3A_26 : vector<2048x1xf32>
    %add3A_29 = arith.constant 1.000000e+00 : f32
    %add3A_30 = vector.broadcast %add3A_29 : f32 to vector<2048x1xf32>
    %add3A_31 = arith.addf %add3A_30, %exp3A : vector<2048x1xf32>
    %div3A_32 = arith.divf %exp3A, %add3A_31 : vector<2048x1xf32>
    %concatenate3A = tpu.concatenate %div3A_28, %div3A_32 in 1 : vector<2048x1xf32>, vector<2048x1xf32> -> vector<2048x2xf32>
    %swap3A = arith.constant 0 : index
    %swap3A_33 = arith.constant 0 : index
    %swap3A_34 = vector.load %arg2[%swap3A, %swap3A_33] : memref<2048x2xf32, #tpu.memory_space<vmem>>, vector<2048x2xf32>
    tpu.vector_store %arg2[%swap3A, %swap3A_33], %concatenate3A {strides = array<i32>} : memref<2048x2xf32, #tpu.memory_space<vmem>>, vector<2048x2xf32>,
    %convert_element_type3A = arith.extui %eq3A_8 : vector<2048x8xi1> to vector<2048x8xi32>
    %convert_element_type3A_35 = arith.sitofp %convert_element_type3A : vector<2048x8xi32> to vector<2048x8xf32>
    %convert_element_type3A_36 = arith.extui %eq3A_24 : vector<2048x8xi1> to vector<2048x8xi32>
    %convert_element_type3A_37 = arith.sitofp %convert_element_type3A_36 : vector<2048x8xi32> to vector<2048x8xf32>
    %add3A_38 = arith.addf %convert_element_type3A_35, %convert_element_type3A_37 : vector<2048x8xf32>
    %iota3A_39 = tpu.iota {dimensions = array<i32: 0>} : vector<2048x2048xi32>
    %iota3A_40 = tpu.iota {dimensions = array<i32: 1>} : vector<2048x2048xi32>
    %gt3A = arith.cmpi sgt, %iota3A_39, %iota3A_40 : vector<2048x2048xi32>
    %convert_element_type3A_41 = arith.extui %gt3A : vector<2048x2048xi1> to vector<2048x2048xi32>
    %convert_element_type3A_42 = arith.sitofp %convert_element_type3A_41 : vector<2048x2048xi32> to vector<2048x2048xf32>
    %convert_element_type3A_43 = arith.truncf %convert_element_type3A_42 : vector<2048x2048xf32> to vector<2048x2048xbf16>
    %convert_element_type3A_44 = arith.truncf %add3A_38 : vector<2048x8xf32> to vector<2048x8xbf16>
    %dot_general3A = arith.constant dense<0.000000e+00> : vector<2048x8xf32>
    %dot_general3A_45 = tpu.matmul %convert_element_type3A_43, %convert_element_type3A_44, %dot_general3A {dimension_numbers = #tpu.dot_dimension_numbers<[1], [0], [0], [1], [0, 0, 1, 1], [], []>, transpose_lhs_hint = false} : vector<2048x2048xbf16>, vector<2048x8xbf16>, vector<2048x8xf32> -> vector<2048x8xf32>
    %reduce_sum3A = arith.constant dense<0.000000e+00> : vector<8xf32>
    %reduce_sum3A_46 = vector.multi_reduction <add>, %add3A_38, %reduce_sum3A [0] : vector<2048x8xf32> to vector<8xf32>
    %broadcast_in_dim3A_47 = vector.shape_cast %reduce_sum3A_46 : vector<8xf32> to vector<1x8xf32>
    %convert_element_type3A_48 = arith.fptosi %broadcast_in_dim3A_47 : vector<1x8xf32> to vector<1x8xi32>
    %add3A_49 = arith.constant 256 : i32
    %add3A_50 = vector.broadcast %add3A_49 : i32 to vector<1x8xi32>
    %add3A_51 = arith.addi %convert_element_type3A_48, %add3A_50 : vector<1x8xi32>
    %sub3A_52 = arith.constant 1 : i32
    %sub3A_53 = vector.broadcast %sub3A_52 : i32 to vector<1x8xi32>
    %sub3A_54 = arith.subi %add3A_51, %sub3A_53 : vector<1x8xi32>
    %jit3A_55 = arith.constant 256 : i32
    %div3A_56 = vector.broadcast %jit3A_55 : i32 to vector<1x8xi32>
    %div3A_57 = arith.divsi %sub3A_54, %div3A_56 : vector<1x8xi32>
    %sign3A = arith.constant 0 : i32
    %sign3A_58 = vector.broadcast %sign3A : i32 to vector<1x8xi32>
    %sign3A_59 = arith.cmpi sgt, %sub3A_54, %sign3A_58 : vector<1x8xi32>
    %sign3A_60 = arith.extui %sign3A_59 : vector<1x8xi1> to vector<1x8xi32>
    %sign3A_61 = arith.constant 0 : i32
    %sign3A_62 = vector.broadcast %sign3A_61 : i32 to vector<1x8xi32>
    %sign3A_63 = arith.cmpi slt, %sub3A_54, %sign3A_62 : vector<1x8xi32>
    %sign3A_64 = arith.extui %sign3A_63 : vector<1x8xi1> to vector<1x8xi32>
    %sign3A_65 = arith.subi %sign3A_60, %sign3A_64 : vector<1x8xi32>
    %sign3A_66 = arith.constant 0 : i32
    %sign3A_67 = arith.cmpi sgt, %jit3A_55, %sign3A_66 : i32
    %sign3A_68 = arith.extui %sign3A_67 : i1 to i32
    %sign3A_69 = arith.constant 0 : i32
    %sign3A_70 = arith.cmpi slt, %jit3A_55, %sign3A_69 : i32
    %sign3A_71 = arith.extui %sign3A_70 : i1 to i32
    %sign3A_72 = arith.subi %sign3A_68, %sign3A_71 : i32
    %ne3A = vector.broadcast %sign3A_72 : i32 to vector<1x8xi32>
    %ne3A_73 = arith.cmpi ne, %sign3A_65, %ne3A : vector<1x8xi32>
    %rem3A = vector.broadcast %jit3A_55 : i32 to vector<1x8xi32>
    %rem3A_74 = arith.remsi %sub3A_54, %rem3A : vector<1x8xi32>
    %ne3A_75 = arith.constant 0 : i32
    %ne3A_76 = vector.broadcast %ne3A_75 : i32 to vector<1x8xi32>
    %ne3A_77 = arith.cmpi ne, %rem3A_74, %ne3A_76 : vector<1x8xi32>
    %and3A = arith.andi %ne3A_73, %ne3A_77 : vector<1x8xi1>
    %sub3A_78 = arith.constant 1 : i32
    %sub3A_79 = vector.broadcast %sub3A_78 : i32 to vector<1x8xi32>
    %sub3A_80 = arith.subi %div3A_57, %sub3A_79 : vector<1x8xi32>
    %select_n3A_81 = arith.select %and3A, %sub3A_80, %div3A_57 : vector<1x8xi1>, vector<1x8xi32>
    %mul3A = arith.constant 256 : i32
    %mul3A_82 = vector.broadcast %mul3A : i32 to vector<1x8xi32>
    %mul3A_83 = arith.muli %select_n3A_81, %mul3A_82 : vector<1x8xi32>
    %iota3A_84 = tpu.iota {dimensions = array<i32: 0>} : vector<8x8xi32>
    %iota3A_85 = tpu.iota {dimensions = array<i32: 1>} : vector<8x8xi32>
    %lt3A = arith.cmpi slt, %iota3A_84, %iota3A_85 : vector<8x8xi32>
    %convert_element_type3A_86 = arith.extui %lt3A : vector<8x8xi1> to vector<8x8xi32>
    %convert_element_type3A_87 = arith.sitofp %convert_element_type3A_86 : vector<8x8xi32> to vector<8x8xf32>
    %convert_element_type3A_88 = arith.sitofp %mul3A_83 : vector<1x8xi32> to vector<1x8xf32>
    %dot_general3A_89 = arith.constant dense<0.000000e+00> : vector<1x8xf32>
    %dot_general3A_90 = tpu.matmul %convert_element_type3A_88, %convert_element_type3A_87, %dot_general3A_89 {dimension_numbers = #tpu.dot_dimension_numbers<[1], [0], [0], [1], [0, 0, 1, 1], [], []>, precision = #tpu.contract_precision<fp32>, transpose_lhs_hint = false} : vector<1x8xf32>, vector<8x8xf32>, vector<1x8xf32> -> vector<1x8xf32>
    %reduce_sum3A_91 = vector.shape_cast %mul3A_83 : vector<1x8xi32> to vector<1x1x8xi32>
    %reduce_sum3A_92 = arith.constant dense<0> : vector<1xi32>
    %reduce_sum3A_93 = vector.multi_reduction <add>, %reduce_sum3A_91, %reduce_sum3A_92 [1, 2] : vector<1x1x8xi32> to vector<1xi32>
    %reduce_sum3A_94 = vector.shape_cast %reduce_sum3A_93 : vector<1xi32> to vector<1x1x1xi32>
    %reduce_sum3A_95 = vector.extract %reduce_sum3A_94[0, 0, 0] : i32 from vector<1x1x1xi32>
    %add3A_96 = vector.broadcast %dot_general3A_90 : vector<1x8xf32> to vector<2048x8xf32>
    %add3A_97 = arith.addf %add3A_96, %dot_general3A_45 : vector<2048x8xf32>
    %jit3A_98 = arith.constant 0.000000e+00 : f32
    %broadcast_in_dim3A_99 = vector.broadcast %jit3A_98 : f32 to vector<2048x8xf32>
    %select_n3A_100 = arith.select %eq3A_8, %add3A_97, %broadcast_in_dim3A_99 : vector<2048x8xi1>, vector<2048x8xf32>
    %reduce_sum3A_101 = arith.constant dense<0.000000e+00> : vector<2048xf32>
    %reduce_sum3A_102 = vector.multi_reduction <add>, %select_n3A_100, %reduce_sum3A_101 [1] : vector<2048x8xf32> to vector<2048xf32>
    %broadcast_in_dim3A_103 = vector.shape_cast %reduce_sum3A_102 : vector<2048xf32> to vector<2048x1xf32>
    %jit3A_104 = arith.constant 0.000000e+00 : f32
    %broadcast_in_dim3A_105 = vector.broadcast %jit3A_104 : f32 to vector<2048x8xf32>
    %select_n3A_106 = arith.select %eq3A_24, %add3A_97, %broadcast_in_dim3A_105 : vector<2048x8xi1>, vector<2048x8xf32>
    %reduce_sum3A_107 = arith.constant dense<0.000000e+00> : vector<2048xf32>
    %reduce_sum3A_108 = vector.multi_reduction <add>, %select_n3A_106, %reduce_sum3A_107 [1] : vector<2048x8xf32> to vector<2048xf32>
    %broadcast_in_dim3A_109 = vector.shape_cast %reduce_sum3A_108 : vector<2048xf32> to vector<2048x1xf32>
    %concatenate3A_110 = tpu.concatenate %broadcast_in_dim3A_103, %broadcast_in_dim3A_109 in 1 : vector<2048x1xf32>, vector<2048x1xf32> -> vector<2048x2xf32>
    %convert_element_type3A_111 = arith.fptosi %concatenate3A_110 : vector<2048x2xf32> to vector<2048x2xi32>
    %swap3A_112 = arith.constant 0 : index
    %swap3A_113 = arith.constant 0 : index
    %swap3A_114 = vector.load %arg1[%swap3A_112, %swap3A_113] : memref<2048x2xi32, #tpu.memory_space<vmem>>, vector<2048x2xi32>
    tpu.vector_store %arg1[%swap3A_112, %swap3A_113], %convert_element_type3A_111 {strides = array<i32>} : memref<2048x2xi32, #tpu.memory_space<vmem>>, vector<2048x2xi32>,
    %convert_element_type3A_115 = arith.fptosi %dot_general3A_90 : vector<1x8xf32> to vector<1x8xi32>
    %add3A_116 = arith.addi %convert_element_type3A_115, %mul3A_83 : vector<1x8xi32>
    %iota3A_117 = tpu.iota {dimensions = array<i32: 0>} : vector<24x8xi32>
    %mul3A_118 = arith.constant 256 : i32
    %mul3A_119 = vector.broadcast %mul3A_118 : i32 to vector<24x8xi32>
    %mul3A_120 = arith.muli %iota3A_117, %mul3A_119 : vector<24x8xi32>
    %ge3A = vector.broadcast %add3A_116 : vector<1x8xi32> to vector<24x8xi32>
    %ge3A_121 = arith.cmpi sge, %mul3A_120, %ge3A : vector<24x8xi32>
    %convert_element_type3A_122 = arith.extui %ge3A_121 : vector<24x8xi1> to vector<24x8xi32>
    %reduce_sum3A_123 = arith.constant dense<0> : vector<24xi32>
    %reduce_sum3A_124 = vector.multi_reduction <add>, %convert_element_type3A_122, %reduce_sum3A_123 [1] : vector<24x8xi32> to vector<24xi32>
    %broadcast_in_dim3A_125 = vector.shape_cast %reduce_sum3A_124 : vector<24xi32> to vector<24x1xi32>
    %iota3A_126 = tpu.iota {dimensions = array<i32: 1>} : vector<1x8xi32>
    %gt3A_127 = arith.constant 0 : i32
    %gt3A_128 = vector.broadcast %gt3A_127 : i32 to vector<1x8xi32>
    %gt3A_129 = arith.cmpi sgt, %mul3A_83, %gt3A_128 : vector<1x8xi32>
    %jit3A_130 = arith.constant 0 : i32
    %broadcast_in_dim3A_131 = vector.broadcast %jit3A_130 : i32 to vector<1x8xi32>
    %select_n3A_132 = arith.select %gt3A_129, %iota3A_126, %broadcast_in_dim3A_131 : vector<1x8xi1>, vector<1x8xi32>
    %reduce_max3A_133 = vector.shape_cast %select_n3A_132 : vector<1x8xi32> to vector<1x1x8xi32>
    %reduce_max3A_134 = arith.constant dense<-2147483648> : vector<1xi32>
    %reduce_max3A_135 = vector.multi_reduction <maxsi>, %reduce_max3A_133, %reduce_max3A_134 [1, 2] : vector<1x1x8xi32> to vector<1xi32>
    %reduce_max3A_136 = vector.shape_cast %reduce_max3A_135 : vector<1xi32> to vector<1x1x1xi32>
    %reduce_max3A_137 = vector.extract %reduce_max3A_136[0, 0, 0] : i32 from vector<1x1x1xi32>
    %min3A = vector.broadcast %reduce_max3A_137 : i32 to vector<24x1xi32>
    %min3A_138 = arith.minsi %broadcast_in_dim3A_125, %min3A : vector<24x1xi32>
    %swap3A_139 = arith.constant 0 : index
    %swap3A_140 = arith.constant 0 : index
    %swap3A_141 = vector.load %arg3[%swap3A_139, %swap3A_140] : memref<24x1xi32, #tpu.memory_space<vmem>>, vector<24x1xi32>
    tpu.vector_store %arg3[%swap3A_139, %swap3A_140], %min3A_138 {strides = array<i32>} : memref<24x1xi32, #tpu.memory_space<vmem>>, vector<24x1xi32>,
    %iota3A_142 = tpu.iota {dimensions = array<i32: 0>} : vector<24x1xi32>
    %mul3A_143 = arith.constant 256 : i32
    %mul3A_144 = vector.broadcast %mul3A_143 : i32 to vector<24x1xi32>
    %mul3A_145 = arith.muli %iota3A_142, %mul3A_144 : vector<24x1xi32>
    %lt3A_146 = vector.broadcast %reduce_sum3A_95 : i32 to vector<24x1xi32>
    %lt3A_147 = arith.cmpi slt, %mul3A_145, %lt3A_146 : vector<24x1xi32>
    %convert_element_type3A_148 = arith.extui %lt3A_147 : vector<24x1xi1> to vector<24x1xi32>
    %swap3A_149 = arith.constant 0 : index
    %swap3A_150 = arith.constant 0 : index
    %swap3A_151 = vector.load %arg4[%swap3A_149, %swap3A_150] : memref<24x1xi32, #tpu.memory_space<vmem>>, vector<24x1xi32>
    tpu.vector_store %arg4[%swap3A_149, %swap3A_150], %convert_element_type3A_148 {strides = array<i32>} : memref<24x1xi32, #tpu.memory_space<vmem>>, vector<24x1xi32>,
    %jit3A_152 = arith.constant 256 : i32
    %div3A_153 = arith.divsi %reduce_sum3A_95, %jit3A_152 : i32
    %sign3A_154 = arith.constant 0 : i32
    %sign3A_155 = arith.cmpi sgt, %reduce_sum3A_95, %sign3A_154 : i32
    %sign3A_156 = arith.extui %sign3A_155 : i1 to i32
    %sign3A_157 = arith.constant 0 : i32
    %sign3A_158 = arith.cmpi slt, %reduce_sum3A_95, %sign3A_157 : i32
    %sign3A_159 = arith.extui %sign3A_158 : i1 to i32
    %sign3A_160 = arith.subi %sign3A_156, %sign3A_159 : i32
    %sign3A_161 = arith.constant 0 : i32
    %sign3A_162 = arith.cmpi sgt, %jit3A_152, %sign3A_161 : i32
    %sign3A_163 = arith.extui %sign3A_162 : i1 to i32
    %sign3A_164 = arith.constant 0 : i32
    %sign3A_165 = arith.cmpi slt, %jit3A_152, %sign3A_164 : i32
    %sign3A_166 = arith.extui %sign3A_165 : i1 to i32
    %sign3A_167 = arith.subi %sign3A_163, %sign3A_166 : i32
    %ne3A_168 = arith.cmpi ne, %sign3A_160, %sign3A_167 : i32
    %rem3A_169 = arith.remsi %reduce_sum3A_95, %jit3A_152 : i32
    %ne3A_170 = arith.constant 0 : i32
    %ne3A_171 = arith.cmpi ne, %rem3A_169, %ne3A_170 : i32
    %and3A_172 = arith.andi %ne3A_168, %ne3A_171 : i1
    %sub3A_173 = arith.constant 1 : i32
    %sub3A_174 = arith.subi %div3A_153, %sub3A_173 : i32
    %select_n3A_175 = arith.select %and3A_172, %sub3A_174, %div3A_153 : i32
    %broadcast_in_dim3A_176 = vector.broadcast %select_n3A_175 : i32 to vector<1x1xi32>
    %swap3A_177 = arith.constant 0 : index
    %swap3A_178 = arith.constant 0 : index
    %swap3A_179 = vector.load %arg5[%swap3A_177, %swap3A_178] : memref<1x1xi32, #tpu.memory_space<vmem>>, vector<1x1xi32>
    tpu.vector_store %arg5[%swap3A_177, %swap3A_178], %broadcast_in_dim3A_176 {strides = array<i32>} : memref<1x1xi32, #tpu.memory_space<vmem>>, vector<1x1xi32>,
    return
  }
}

module attributes {stable_mosaic.version = 14 : i64} {
  func.func @_act_kernel(%arg0: i32, %arg1: i32, %arg2: memref<24xi32, #tpu.memory_space<smem>>, %arg3: memref<24xi32, #tpu.memory_space<smem>>, %arg4: memref<1xi32, #tpu.memory_space<smem>>, %arg5: memref<256x1024xf32, #tpu.memory_space<vmem>>, %arg6: memref<256x128xf32, #tpu.memory_space<vmem>>, %arg7: memref<1x1408x1024xf32, #tpu.memory_space<vmem>>, %arg8: memref<1x1408x1024xf32, #tpu.memory_space<vmem>>, %arg9: memref<256x1408xbf16, #tpu.memory_space<vmem>>) attributes {dimension_semantics = [#tpu.dimension_semantics<arbitrary>, #tpu.dimension_semantics<arbitrary>], iteration_bounds = array<i64: 2, 24>, scalar_prefetch = 3 : i64, scratch_operands = 0 : i64, tpu.core_type = #tpu.core_type<tc>, window_params = [{transform_indices = @transform_0, window_bounds = array<i64: 256, 1024>}, {transform_indices = @transform_1, window_bounds = array<i64: 256, 128>}, {transform_indices = @transform_2, window_bounds = array<i64: 1, 1408, 1024>}, {transform_indices = @transform_3, window_bounds = array<i64: 1, 1408, 1024>}, {transform_indices = @transform_4, window_bounds = array<i64: 256, 1408>}]} {
    %get3A = arith.index_cast %arg1 : i32 to index
    %get3A_0 = memref.load %arg3[%get3A] : memref<24xi32, #tpu.memory_space<smem>>
    %ne3A = arith.constant 0 : i32
    %ne3A_1 = arith.cmpi ne, %get3A_0, %ne3A : i32
    %convert_element_type3A = arith.extui %ne3A_1 : i1 to i32
    %cond3A = arith.constant 0 : i32
    %cond3A_2 = arith.cmpi ne, %convert_element_type3A, %cond3A : i32
    scf.if %cond3A_2 {
      %get3A_3 = arith.constant 0 : index
      %get3A_4 = arith.constant 0 : index
      %get3A_5 = vector.load %arg5[%get3A_3, %get3A_4] : memref<256x1024xf32, #tpu.memory_space<vmem>>, vector<256x1024xf32>
      %convert_element_type3A_6 = arith.truncf %get3A_5 : vector<256x1024xf32> to vector<256x1024xbf16>
      %get3A_7 = arith.constant 0 : index
      %get3A_8 = arith.constant 0 : index
      %get3A_9 = arith.constant 0 : index
      %get3A_10 = vector.load %arg7[%get3A_7, %get3A_8, %get3A_9] : memref<1x1408x1024xf32, #tpu.memory_space<vmem>>, vector<1x1408x1024xf32>
      %get3A_11 = vector.shape_cast %get3A_10 : vector<1x1408x1024xf32> to vector<1408x1024xf32>
      %convert_element_type3A_12 = arith.truncf %get3A_11 : vector<1408x1024xf32> to vector<1408x1024xbf16>
      %dot_general3A = arith.constant dense<0.000000e+00> : vector<256x1408xf32>
      %dot_general3A_13 = tpu.matmul %convert_element_type3A_6, %convert_element_type3A_12, %dot_general3A {dimension_numbers = #tpu.dot_dimension_numbers<[1], [1], [0], [0], [0, 0, 1, 0], [], []>, transpose_lhs_hint = false} : vector<256x1024xbf16>, vector<1408x1024xbf16>, vector<256x1408xf32> -> vector<256x1408xf32>
      %get3A_14 = arith.constant 0 : index
      %get3A_15 = arith.constant 0 : index
      %get3A_16 = arith.constant 0 : index
      %get3A_17 = vector.load %arg8[%get3A_14, %get3A_15, %get3A_16] : memref<1x1408x1024xf32, #tpu.memory_space<vmem>>, vector<1x1408x1024xf32>
      %get3A_18 = vector.shape_cast %get3A_17 : vector<1x1408x1024xf32> to vector<1408x1024xf32>
      %convert_element_type3A_19 = arith.truncf %get3A_18 : vector<1408x1024xf32> to vector<1408x1024xbf16>
      %dot_general3A_20 = arith.constant dense<0.000000e+00> : vector<256x1408xf32>
      %dot_general3A_21 = tpu.matmul %convert_element_type3A_6, %convert_element_type3A_19, %dot_general3A_20 {dimension_numbers = #tpu.dot_dimension_numbers<[1], [1], [0], [0], [0, 0, 1, 0], [], []>, transpose_lhs_hint = false} : vector<256x1024xbf16>, vector<1408x1024xbf16>, vector<256x1408xf32> -> vector<256x1408xf32>
      %logistic3A = arith.negf %dot_general3A_13 : vector<256x1408xf32>
      %logistic3A_22 = math.exp %logistic3A : vector<256x1408xf32>
      %logistic3A_23 = arith.constant 1.000000e+00 : f32
      %logistic3A_24 = vector.broadcast %logistic3A_23 : f32 to vector<256x1408xf32>
      %logistic3A_25 = arith.addf %logistic3A_24, %logistic3A_22 : vector<256x1408xf32>
      %logistic3A_26 = arith.divf %logistic3A_24, %logistic3A_25 : vector<256x1408xf32>
      %mul3A = arith.mulf %dot_general3A_13, %logistic3A_26 : vector<256x1408xf32>
      %mul3A_27 = arith.mulf %mul3A, %dot_general3A_21 : vector<256x1408xf32>
      %get3A_28 = arith.constant 0 : index
      %get3A_29 = arith.constant 0 : index
      %get3A_30 = vector.load %arg6[%get3A_28, %get3A_29] : memref<256x128xf32, #tpu.memory_space<vmem>>, vector<256x1xf32>
      %mul3A_31 = vector.broadcast %get3A_30 : vector<256x1xf32> to vector<256x1408xf32>
      %mul3A_32 = arith.mulf %mul3A_27, %mul3A_31 : vector<256x1408xf32>
      %convert_element_type3A_33 = arith.truncf %mul3A_32 : vector<256x1408xf32> to vector<256x1408xbf16>
      %swap3A = arith.constant 0 : index
      %swap3A_34 = arith.constant 0 : index
      %swap3A_35 = vector.load %arg9[%swap3A, %swap3A_34] : memref<256x1408xbf16, #tpu.memory_space<vmem>>, vector<256x1408xbf16>
      tpu.vector_store %arg9[%swap3A, %swap3A_34], %convert_element_type3A_33 {strides = array<i32>} : memref<256x1408xbf16, #tpu.memory_space<vmem>>, vector<256x1408xbf16>,
    } else {
    }
    return
  }
  func.func @transform_0(%arg0: i32, %arg1: i32, %arg2: memref<24xi32, #tpu.memory_space<smem>>, %arg3: memref<24xi32, #tpu.memory_space<smem>>, %arg4: memref<1xi32, #tpu.memory_space<smem>>) -> (i32, i32) {
    %get3A = arith.constant 0 : index
    %get3A_0 = memref.load %arg4[%get3A] : memref<1xi32, #tpu.memory_space<smem>>
    %sub3A = arith.constant 1 : i32
    %sub3A_1 = arith.subi %get3A_0, %sub3A : i32
    %min3A = arith.minsi %arg1, %sub3A_1 : i32
    %c0_i32 = arith.constant 0 : i32
    %c0_i32_2 = arith.constant 0 : i32
    return %min3A, %c0_i32 : i32, i32
  }
  func.func @transform_1(%arg0: i32, %arg1: i32, %arg2: memref<24xi32, #tpu.memory_space<smem>>, %arg3: memref<24xi32, #tpu.memory_space<smem>>, %arg4: memref<1xi32, #tpu.memory_space<smem>>) -> (i32, i32) {
    %get3A = arith.constant 0 : index
    %get3A_0 = memref.load %arg4[%get3A] : memref<1xi32, #tpu.memory_space<smem>>
    %sub3A = arith.constant 1 : i32
    %sub3A_1 = arith.subi %get3A_0, %sub3A : i32
    %min3A = arith.minsi %arg1, %sub3A_1 : i32
    %c0_i32 = arith.constant 0 : i32
    %c0_i32_2 = arith.constant 0 : i32
    return %min3A, %c0_i32 : i32, i32
  }
  func.func @transform_2(%arg0: i32, %arg1: i32, %arg2: memref<24xi32, #tpu.memory_space<smem>>, %arg3: memref<24xi32, #tpu.memory_space<smem>>, %arg4: memref<1xi32, #tpu.memory_space<smem>>) -> (i32, i32, i32) {
    %get3A = arith.index_cast %arg1 : i32 to index
    %get3A_0 = memref.load %arg2[%get3A] : memref<24xi32, #tpu.memory_space<smem>>
    %c0_i32 = arith.constant 0 : i32
    %c0_i32_1 = arith.constant 0 : i32
    return %get3A_0, %arg0, %c0_i32 : i32, i32, i32
  }
  func.func @transform_3(%arg0: i32, %arg1: i32, %arg2: memref<24xi32, #tpu.memory_space<smem>>, %arg3: memref<24xi32, #tpu.memory_space<smem>>, %arg4: memref<1xi32, #tpu.memory_space<smem>>) -> (i32, i32, i32) {
    %get3A = arith.index_cast %arg1 : i32 to index
    %get3A_0 = memref.load %arg2[%get3A] : memref<24xi32, #tpu.memory_space<smem>>
    %c0_i32 = arith.constant 0 : i32
    %c0_i32_1 = arith.constant 0 : i32
    return %get3A_0, %arg0, %c0_i32 : i32, i32, i32
  }
  func.func @transform_4(%arg0: i32, %arg1: i32, %arg2: memref<24xi32, #tpu.memory_space<smem>>, %arg3: memref<24xi32, #tpu.memory_space<smem>>, %arg4: memref<1xi32, #tpu.memory_space<smem>>) -> (i32, i32) {
    %get3A = arith.constant 0 : index
    %get3A_0 = memref.load %arg4[%get3A] : memref<1xi32, #tpu.memory_space<smem>>
    %sub3A = arith.constant 1 : i32
    %sub3A_1 = arith.subi %get3A_0, %sub3A : i32
    %min3A = arith.minsi %arg1, %sub3A_1 : i32
    %c0_i32 = arith.constant 0 : i32
    return %min3A, %arg0 : i32, i32
  }
}

module attributes {stable_mosaic.version = 14 : i64} {
  func.func @_down_kernel(%arg0: i32, %arg1: memref<24xi32, #tpu.memory_space<smem>>, %arg2: memref<24xi32, #tpu.memory_space<smem>>, %arg3: memref<1xi32, #tpu.memory_space<smem>>, %arg4: memref<256x2816xbf16, #tpu.memory_space<vmem>>, %arg5: memref<1x1024x2816xf32, #tpu.memory_space<vmem>>, %arg6: memref<256x1024xf32, #tpu.memory_space<vmem>>) attributes {dimension_semantics = [#tpu.dimension_semantics<arbitrary>], iteration_bounds = array<i64: 24>, scalar_prefetch = 3 : i64, scratch_operands = 0 : i64, tpu.core_type = #tpu.core_type<tc>, window_params = [{transform_indices = @transform_0, window_bounds = array<i64: 256, 2816>}, {transform_indices = @transform_1, window_bounds = array<i64: 1, 1024, 2816>}, {transform_indices = @transform_2, window_bounds = array<i64: 256, 1024>}]} {
    %get3A = arith.index_cast %arg0 : i32 to index
    %get3A_0 = memref.load %arg2[%get3A] : memref<24xi32, #tpu.memory_space<smem>>
    %ne3A = arith.constant 0 : i32
    %ne3A_1 = arith.cmpi ne, %get3A_0, %ne3A : i32
    %convert_element_type3A = arith.extui %ne3A_1 : i1 to i32
    %cond3A = arith.constant 0 : i32
    %cond3A_2 = arith.cmpi ne, %convert_element_type3A, %cond3A : i32
    scf.if %cond3A_2 {
      %get3A_3 = arith.constant 0 : index
      %get3A_4 = arith.constant 0 : index
      %get3A_5 = vector.load %arg4[%get3A_3, %get3A_4] : memref<256x2816xbf16, #tpu.memory_space<vmem>>, vector<256x2816xbf16>
      %get3A_6 = arith.constant 0 : index
      %get3A_7 = arith.constant 0 : index
      %get3A_8 = arith.constant 0 : index
      %get3A_9 = vector.load %arg5[%get3A_6, %get3A_7, %get3A_8] : memref<1x1024x2816xf32, #tpu.memory_space<vmem>>, vector<1x1024x2816xf32>
      %get3A_10 = vector.shape_cast %get3A_9 : vector<1x1024x2816xf32> to vector<1024x2816xf32>
      %convert_element_type3A_11 = arith.truncf %get3A_10 : vector<1024x2816xf32> to vector<1024x2816xbf16>
      %dot_general3A = arith.constant dense<0.000000e+00> : vector<256x1024xf32>
      %dot_general3A_12 = tpu.matmul %get3A_5, %convert_element_type3A_11, %dot_general3A {dimension_numbers = #tpu.dot_dimension_numbers<[1], [1], [0], [0], [0, 0, 1, 0], [], []>, transpose_lhs_hint = false} : vector<256x2816xbf16>, vector<1024x2816xbf16>, vector<256x1024xf32> -> vector<256x1024xf32>
      %swap3A = arith.constant 0 : index
      %swap3A_13 = arith.constant 0 : index
      %swap3A_14 = vector.load %arg6[%swap3A, %swap3A_13] : memref<256x1024xf32, #tpu.memory_space<vmem>>, vector<256x1024xf32>
      tpu.vector_store %arg6[%swap3A, %swap3A_13], %dot_general3A_12 {strides = array<i32>} : memref<256x1024xf32, #tpu.memory_space<vmem>>, vector<256x1024xf32>,
    } else {
    }
    return
  }
  func.func @transform_0(%arg0: i32, %arg1: memref<24xi32, #tpu.memory_space<smem>>, %arg2: memref<24xi32, #tpu.memory_space<smem>>, %arg3: memref<1xi32, #tpu.memory_space<smem>>) -> (i32, i32) {
    %get3A = arith.constant 0 : index
    %get3A_0 = memref.load %arg3[%get3A] : memref<1xi32, #tpu.memory_space<smem>>
    %sub3A = arith.constant 1 : i32
    %sub3A_1 = arith.subi %get3A_0, %sub3A : i32
    %min3A = arith.minsi %arg0, %sub3A_1 : i32
    %c0_i32 = arith.constant 0 : i32
    %c0_i32_2 = arith.constant 0 : i32
    return %min3A, %c0_i32 : i32, i32
  }
  func.func @transform_1(%arg0: i32, %arg1: memref<24xi32, #tpu.memory_space<smem>>, %arg2: memref<24xi32, #tpu.memory_space<smem>>, %arg3: memref<1xi32, #tpu.memory_space<smem>>) -> (i32, i32, i32) {
    %get3A = arith.index_cast %arg0 : i32 to index
    %get3A_0 = memref.load %arg1[%get3A] : memref<24xi32, #tpu.memory_space<smem>>
    %c0_i32 = arith.constant 0 : i32
    %c0_i32_1 = arith.constant 0 : i32
    %c0_i32_2 = arith.constant 0 : i32
    return %get3A_0, %c0_i32, %c0_i32_1 : i32, i32, i32
  }
  func.func @transform_2(%arg0: i32, %arg1: memref<24xi32, #tpu.memory_space<smem>>, %arg2: memref<24xi32, #tpu.memory_space<smem>>, %arg3: memref<1xi32, #tpu.memory_space<smem>>) -> (i32, i32) {
    %get3A = arith.constant 0 : index
    %get3A_0 = memref.load %arg3[%get3A] : memref<1xi32, #tpu.memory_space<smem>>
    %sub3A = arith.constant 1 : i32
    %sub3A_1 = arith.subi %get3A_0, %sub3A : i32
    %min3A = arith.minsi %arg0, %sub3A_1 : i32
    %c0_i32 = arith.constant 0 : i32
    %c0_i32_2 = arith.constant 0 : i32
    return %min3A, %c0_i32 : i32, i32
  }
}

</mosaic_0001>

<sc_bundles>
// kernel: kernel.10.cloned.1.call-start
scs
__scs_entry_jumppad:
0x0: {  	(pc) =	sbr.rel $0x88, $3  }
0x1: {  	(tag) =	ssettag $0x0;
	lr =	simm.s32 $0x1  }
0x2: {  	[smem:$0x3F9C] =	sst lr;
	_ =	strace $0xD0000000  }
0x3: {  	_ = 	snop  }
0x4: {  	_ = 	snop  }
0x5: {  	_ = 	snop  }
0x6: {  	_ = 	snop  }
0x7: {  	_ = 	snop  }
__scs_overlays_trampoline_lowered:
0x8: {  	[smem:$0x3FAB] =	sst s0  }
0x9: {  	[smem:$0x3FAC] =	sst s1  }
0xa: {  	[smem:$0x3FAD] =	sst s2  }
0xb: {  	[smem:$0x3FAE] =	sst s3  }
0xc: {  	[smem:$0x3FAF] =	sst s4  }
0xd: {  	[smem:$0x3FB0] =	sst s5  }
0xe: {  	[smem:$0x3FB1] =	sst s6  }
0xf: {  	[smem:$0x3FB2] =	sst s7  }
0x10: {  	[smem:$0x3FB3] =	sst s8  }
0x11: {  	[smem:$0x3FB4] =	sst s9;
	s0 =	simm.s32 @!p0 $0x0  }
0x12: {  	s1 =	sld [smem:$0x3F9A];
	s0 =	simm.s32 @p0 $0x1  }
0x13: {  	[smem:$0x3FB5] =	sst s0;
	s0 =	simm.s32 @!p1 $0x0  }
0x14: {  	s2 =	sld [smem:$0x3F99];
	s0 =	simm.s32 @p1 $0x1  }
0x15: {  	[smem:$0x3FB6] =	sst s0;
	s0 =	simm.s32 @!p2 $0x0  }
0x16: {  	s3 =	sld [smem:$0x3FDB];
	s0 =	simm.s32 @p2 $0x1  }
0x17: {  	s4 =	simm.s32 $0x1BF5;
	[smem:$0x3FB8] =	sst s0  }
0x18: {  	s0 =	sld [smem:$0x3F9B];
	_ =	swait.ge [sflag:s4], $0x0  }
0x19: {  	s7 =	sld [smem:$0x3F9C]  }
0x1a: {  	s8 =	sadd.s32 $0xFFFFE003, lr  }
0x1b: {  	s9 =	sadd.s32 $0xFFFFFEF7, lr;
	s5 =	simm.s32 $0xFFFFFFFF;
	p2 =	slt.u32 s8, $0xFFFFF086  }
0x1c: {  	p1 =	slt.u32 s9, $0xF7A;
	s5 =	simm.s32 @!p2 $0x0  }
0x1d: {  	s5 =	simm.s32 @p1 $0x1;
	p0 =	seq.s32 s7, s2  }
0x1e: {  	s7 =	smul.u32 @!p0 $0xF7A, s2;
	p2 =	seq.s32 @!p0 s5, $0x0  }
0x1f: {  	s9 =	smul.u32 $0xF7A, s1;
	s8 =	simm.s32 @!p0 $0x1BF5;
	p2 =	por !p2, p0  }
0x20: {  	[sflag:s8] =	ssyncset.s32 @!p0 $0xFFFFF086;
	s6 =	sadd.s32 @!p0 s3, s7;
	s7 =	simm.s32 @!p0 $0x108  }
0x21: {  	s3 =	sadd.s32 s3, s9;
	s6 =	sadd.s32 @!p0 $0x88, s6;
	s7 =	simm.s32 @p2 $0x1082  }
0x22: {  	[simem:s7], [sflag:s8] =	dma.local @!p0 [hbm:s6], $0xF7A  }
0x23: {  	s9 =	sor.u32 $0xD0000000, s2;
	s6 =	simm.s32 $0x108;
	_ =	swait.ge @!p0 [sflag:s8], $0x0  }
0x24: {  	s3 =	sadd.s32 $0x88, s3;
	s6 =	simm.s32 @!p1 $0x1082;
	[sflag:s4] =	ssyncset.s32 $0xFFFFF086  }
0x25: {  	[simem:s6], [sflag:s4] =	dma.local [hbm:s3], $0xF7A  }
0x26: {  	[smem:$0x3F9C] =	sst s1;
	(tag) =	ssettag s2;
	_ =	strace s9  }
0x27: {  	s1 =	sld [smem:$0x3FAC]  }
0x28: {  	s2 =	sld [smem:$0x3FAD]  }
0x29: {  	s4 =	sld [smem:$0x3FAF]  }
0x2a: {  	p0 =	seq.s32 s5, $0x0;
	s5 =	sld [smem:$0x3FB0]  }
0x2b: {  	s6 =	sld [smem:$0x3FB1]  }
0x2c: {  	s7 =	sld [smem:$0x3FB2]  }
0x2d: {  	s3 =	simm.s32 $0x108;
	s8 =	sld [smem:$0x3FB3]  }
0x2e: {  	s3 =	simm.s32 @!p0 $0x1082;
	s9 =	sld [smem:$0x3FB4]  }
0x2f: {  	lr =	sadd.s32 s0, s3;
	s0 =	sld [smem:$0x3FAB]  }
0x30: {  	s3 =	sld [smem:$0x3FAE]  }
0x31: {  	[smem:$0x3FB7] =	sst s10  }
0x32: {  	s10 =	sld [smem:$0x3FB5];
	_ =	sdelay $0x3  }
0x33: {  	p0 =	seq.s32 s10, $0x1;
	s10 =	sld [smem:$0x3FB7];
	_ =	sdelay $0x3  }
0x34: {  	[smem:$0x3FB7] =	sst s10  }
0x35: {  	s10 =	sld [smem:$0x3FB6];
	_ =	sdelay $0x3  }
0x36: {  	p1 =	seq.s32 s10, $0x1;
	s10 =	sld [smem:$0x3FB7];
	_ =	sdelay $0x3  }
0x37: {  	[smem:$0x3FB7] =	sst s10  }
0x38: {  	s10 =	sld [smem:$0x3FB8]  }
0x39: {  	_ = 	snop;
	(pc) =	sbr.ind lr, $3  }
0x3a: {  	_ = 	snop  }
0x3b: {  	_ = 	snop  }
0x3c: {  	p2 =	seq.s32 s10, $0x1;
	s10 =	sld [smem:$0x3FB7]  }
0x3d: {  	_ =	shalt  }
0x3e: {  	_ =	shalt  }
0x3f: {  	_ =	shalt  }
0x40: {  	_ =	shalt  }
0x41: {  	_ =	shalt  }
0x42: {  	_ =	shalt  }
0x43: {  	_ =	shalt  }
0x44: {  	_ =	shalt  }
0x45: {  	_ =	shalt  }
0x46: {  	_ =	shalt  }
0x47: {  	_ =	shalt  }
0x48: {  	_ =	shalt  }
0x49: {  	_ =	shalt  }
0x4a: {  	_ =	shalt  }
0x4b: {  	_ =	shalt  }
0x4c: {  	_ =	shalt  }
0x4d: {  	_ =	shalt  }
0x4e: {  	_ =	shalt  }
0x4f: {  	_ =	shalt  }
0x50: {  	_ =	shalt  }
0x51: {  	_ =	shalt  }
0x52: {  	_ =	shalt  }
0x53: {  	_ =	shalt  }
0x54: {  	_ =	shalt  }
0x55: {  	_ =	shalt  }
0x56: {  	_ =	shalt  }
0x57: {  	_ =	shalt  }
0x58: {  	_ =	shalt  }
0x59: {  	_ =	shalt  }
0x5a: {  	_ =	shalt  }
0x5b: {  	_ =	shalt  }
0x5c: {  	_ =	shalt  }
0x5d: {  	_ =	shalt  }
0x5e: {  	_ =	shalt  }
0x5f: {  	_ =	shalt  }
0x60: {  	_ =	shalt  }
0x61: {  	_ =	shalt  }
0x62: {  	_ =	shalt  }
0x63: {  	_ =	shalt  }
0x64: {  	_ =	shalt  }
0x65: {  	_ =	shalt  }
0x66: {  	_ =	shalt  }
0x67: {  	_ =	shalt  }
0x68: {  	_ =	shalt  }
0x69: {  	_ =	shalt  }
0x6a: {  	_ =	shalt  }
0x6b: {  	_ =	shalt  }
0x6c: {  	_ =	shalt  }
0x6d: {  	_ =	shalt  }
0x6e: {  	_ =	shalt  }
0x6f: {  	_ =	shalt  }
0x70: {  	_ =	shalt  }
0x71: {  	_ =	shalt  }
0x72: {  	_ =	shalt  }
0x73: {  	_ =	shalt  }
0x74: {  	_ =	shalt  }
0x75: {  	_ =	shalt  }
0x76: {  	_ =	shalt  }
0x77: {  	_ =	shalt  }
0x78: {  	_ =	shalt  }
0x79: {  	_ =	shalt  }
0x7a: {  	_ =	shalt  }
0x7b: {  	_ =	shalt  }
0x7c: {  	_ =	shalt  }
0x7d: {  	_ =	shalt  }
0x7e: {  	_ =	shalt  }
0x7f: {  	_ =	shalt  }
0x80: {  	_ =	shalt  }
0x81: {  	_ =	shalt  }
0x82: {  	_ =	shalt  }
0x83: {  	_ =	shalt  }
0x84: {  	_ =	shalt  }
0x85: {  	_ =	shalt  }
0x86: {  	_ =	shalt  }
0x87: {  	_ =	shalt  }
.Lfunc_end0:
.L_simem_size_0:
called_computation.1_lowered:
.L_overlay_start_0:
0x88: {  	s2 =	sld [smem:$0x3FD9]  }
0x89: {  	s3 =	sld [smem:$0x3FFE];
	_ =	sdelay $0x1  }
0x8a: {  	s1 =	srdreg.scid  }
0x8b: {  	s0 =	sand.u32 $0x1, s1  }
0x8c: {  	s17 =	sshll.u32 s0, $0xA;
	s2 =	sadd.s32 s3, s2  }
0x8d: {  	s2 =	sadd.s32 s2, s17  }
0x8e: {  	[smem:$0x3FC3] =	sst s2  }
0x8f: {  	_ = 	snop  }
0x90: {  	s2 =	sld [smem:$0x3FD0];
	(tm) =	ssettm $0x1  }
0x91: {  	s18 =	sld [smem:$0x3FFB];
	_ =	sdelay $0x3  }
0x92: {  	_ =	strace s18  }
0x93: {  	s3 =	sld [smem:$0x3FFC];
	_ =	sdelay $0x3  }
0x94: {  	_ =	strace s3  }
0x95: {  	s3 =	sld [smem:$0x3FFD];
	_ =	sdelay $0x3  }
0x96: {  	_ =	strace s3  }
0x97: {  	_ =	strace $0x8FFFFFFF  }
0x98: {  	s19 =	sld [smem:$0x3FDB];
	_ =	sdelay $0x1  }
0x99: {  	s4 =	simm.s32 $_scs_section_size  }
0x9a: {  	s5 =	simm.s32 $_size__tile_overlayer_lowered;
	s6 =	simm.s32 $_tile_overlayer_lowered  }
0x9b: {  	s22 =	simm.s32 $0x1BFF;
	s21 =	sshll.u32 s6, $0x1;
	s3 =	sadd.s32 s4, s19  }
0x9c: {  	s7 =	simm.s32 $0x0;
	s20 =	sshll.u32 s5, $0x1;
	s5 =	sadd.s32 s21, s3  }
0x9d: {  	[timem:s7], [sflag:s22] =	dma.local [hbm:s5], s20  }
0x9e: {  	_ =	swait.ge [sflag:s22], s20  }
0x9f: {  	s4 =	ssub.s32 $0x0, s20;
	[sflag:s22] =	ssyncset.done $0x0  }
0xa0: {  	[sflag:s22] =	ssyncadd.s32 s4;
	_ =	sdelay $0x1  }
0xa1: {  	s23 =	simm.s32 $0x1B8B  }
0xa2: {  	_ =	swait.ge [sflag:s23], $0x1  }
0xa3: {  	[sflag:s23] =	ssyncset.done $0x0  }
0xa4: {  	s25 =	simm.s32 $0x1B8E;
	s24 =	sld [smem:$0x3FFE];
	[sflag:s23] =	ssyncadd.s32 $0xFFFFFFFF  }
0xa5: {  	s26 =	simm.s32 $execute0_lowered;
	[smem:$0x3FD2] =	sst s25  }
0xa6: {  	s5 =	sshll.u32 s26, $0x1;
	_ =	strace $0x80000049;
	[dreg:$0x1] =	wrdreg $0xFFFFFFFF  }
0xa7: {  	s28 =	simm.s32 $_size_execute0_lowered;
	s3 =	sadd.s32 s3, s5;
	[dreg:$0x0] =	wrdreg $0x0  }
0xa8: {  	s5 =	sshll.u32 s28, $0x1;
	[dreg:$0x2] =	wrdreg s3  }
0xa9: {  	[dreg:$0x3] =	wrdreg s5  }
0xaa: {  	[dreg:$0x4] =	wrdreg $0xC0  }
0xab: {  	_ =	task [dreg:s7], $0x5FFFF  }
0xac: {  	[dreg:$0x1] =	wrdreg $0xFFFFFFFF  }
0xad: {  	[dreg:$0x0] =	wrdreg $0x60  }
0xae: {  	[dreg:$0x2] =	wrdreg s24  }
0xaf: {  	[dreg:$0x3] =	wrdreg s2  }
0xb0: {  	[dreg:$0x4] =	wrdreg $0x9  }
0xb1: {  	_ =	task.clear_ibuf [dreg:s7], $0x5FFFF;
	_ =	strace $0x90000049  }
0xb2: {  	s29 =	simm.s32 $0x9;
	_ =	strace $0x8000004B  }
0xb3: {  	_ =	swait.ge [sflag:s29], $0x1  }
0xb4: {  	[sflag:s29] =	ssyncadd.s32 $0xFFFFFFFF  }
0xb5: {  	_ =	strace $0x9000004B  }
0xb6: {  	_ =	sfence  }
0xb7: {  	s30 =	sld [smem:$0x0];
	_ =	sdelay $0x2  }
0xb8: {  	s31 =	sshll.u32 s1, $0xD;
	s1 =	sshrl.u32 s1, $0x2  }
0xb9: {  	s3 =	sand.u32 $0x4000, s31;
	s1 =	sadd.s32 s1, s30  }
0xba: {  	s0 =	sor.u32 s3, s0;
	s1 =	sshll.u32 s1, $0x11  }
0xbb: {  	s0 =	sor.u32 s1, s0  }
0xbc: {  	s0 =	sadd.s32 $0x8F2B, s0  }
0xbd: {  	[sflag:s0] =	ssyncadd.remote.s32 $0x1  }
0xbe: {  	_ =	sfence.sel $0xFFFF  }
0xbf: {  	[dreg:$0x0] =	wrdreg $0xFFFFFFFF;
	(pc) =	sbr.abs _section_cstart, $3  }
0xc0: {  	[dreg:$0x1] =	wrdreg $0xFFFFFFFF  }
0xc1: {  	_ =	task.clear_ibuf [dreg:s7], $0x2FFFF;
	_ =	strace $0x9FFFFFFF  }
0xc2: {  	(tm) =	ssettm $0x7FFFFFFF  }
0xc3: {  	_ =	shalt  }
tec
execute0_lowered:
.L_overlay_start_1:
0x0: {  	(tag) =	ssettag $0x1  }
0x1: {  	s0 =	rddreg [dreg:$0x0]  }
0x2: {  	s1 =	rddreg [dreg:$0x1]  }
0x3: {  	s2 =	simm.s32 $0x0;
	s3 =	srdreg.scid;
	s5 =	stileid.u32  }
0x4: {  	s9 =	simm.s32 $0x2;
	s17 =	simm.s32 $0x1;
	s19 =	simm.s32 $0x10000  }
0x5: {  	s20 =	simm.s32 $0x800;
	s21 =	simm.s32 $0x1000;
	s22 =	simm.s32 $0x1800  }
0x6: {  	s28 =	simm.s32 $0x4000;
	s29 =	simm.s32 $0x4800;
	s30 =	simm.s32 $0x5000  }
0x7: {  	s31 =	simm.s32 $0x5800;
	s10 =	simm.s32 $0x7800;
	s11 =	simm.s32 $0x8000  }
0x8: {  	s12 =	simm.s32 $0x8800;
	s13 =	simm.s32 $0x9000;
	s14 =	simm.s32 $0x9800  }
0x9: {  	s15 =	simm.s32 $0xA000;
	s16 =	simm.s32 $0xA800;
	[smem:$0x7FF] =	sst s2  }
0xa: {  	s4 =	sand.u32 $0x1, s3;
	s23 =	sshll.u32 s5, $0x1;
	s3 =	sadd.s32 $0x1400, s0  }
0xb: {  	_ =	strace $0x8000004A;
	s5 =	sor.u32 s4, s23;
	s4 =	ssub.s32 $0x2, s4  }
0xc: {  	s23 =	simm.s32 $0x2000;
	s6 =	sshll.u32 s5, $0x5;
	s5 =	sshll.u32 s5, $0xD  }
0xd: {  	s7 =	sshrl.u32 s4, $0x1;
	s6 =	sadd.s32 s6, s0;
	s8 =	sadd.s32 s5, s0  }
0xe: {  	s7 =	ssub.s32 s4, s7;
	s4 =	sadd.s32 $0x1500, s0;
	s1 =	sadd.s32 s1, s5  }
0xf: {  	s5 =	sadd.s32 $0x1600, s0;
	s24 =	sadd.s32 $0x1000, s6;
	[dreg:$0x4] =	wrdreg s1  }
0x10: {  	s25 =	sadd.s32 $0x1010, s6;
	s6 =	sadd.s32 $0x1700, s0;
	[dreg:$0x3] =	wrdreg s24  }
0x11: {  	v2 =	vlaneseq.u32;
	s26 =	sadd.s32 $0xC1400, s8;
	s7 =	smax.u32 s7, $0x1;
	[dreg:$0x5] =	wrdreg s25  }
0x12: {  	vm0 =	vmmov $0xffff;
	v1 =	vshrl.u32 v2, $0x3;
	s1 =	simm.s32 $0x6800;
	s8 =	simm.s32 $0x7000;
	[dreg:$0x6] =	wrdreg s26  }
0x13: {  	v0 =	vand.u32 $0x7, v2;
	v2 =	vor.u32 $0x8, v2;
	v1 =	vmul.u32 $0x8, v1;
	s24 =	simm.s32 $0x2800;
	s25 =	simm.s32 $0x3000;
	s26 =	simm.s32 $0x3800  }
.LBB2_1:
0x14: {  	s18 =	rddreg [dreg:$0x3]  }
0x15: {  	[tilespmem:s19], [sflag:$0x2] =	stream.linear.gather [hbm4b:s18+s2], $0x80, $0x38;
	[tilespmem:$0x10080] =	vst v63  }
0x16: {  	_ =	swait.ge [sflag:s9], $0x80  }
0x17: {  	[sflag:s9] =	ssyncset.done $0x0  }
0x18: {  	[sflag:s9] =	ssyncadd.s32 $0xFFFFFF80  }
0x19: {  	v3 =	vld [tilespmem:$0x10000];
	_ =	sdelay $0x4  }
0x1a: {  	v4 =	vshll.u32 v3, $0x3  }
0x1b: {  	v3 =	vand.u32 $0x7, v3;
	v4 =	vand.u32 $0xFFFFFFC0, v4  }
0x1c: {  	v3 =	vor.u32 v3, v4  }
0x1d: {  	v4 =	vperm.xlane v3, v0;
	_ =	sdelay $0x1  }
0x1e: {  	v4 =	vadd.s32 v1, v4;
	_ =	sdelay $0x4  }
0x1f: {  	[tilespmem:s2], [sflag:$0x1] =	stream.indirect_vreg.gather [hbm4b:s3+s2], $0x80, v4, vm0, $0xb8;
	[tilespmem:$0x10080] =	vst v63  }
0x20: {  	v3 =	vperm.xlane v3, v2  }
0x21: {  	[tilespmem:s20], [sflag:$0x1] =	stream.indirect_vreg.gather [hbm4b:s4+s2], $0x80, v4, vm0, $0xb8;
	[tilespmem:$0x10080] =	vst v63  }
0x22: {  	v3 =	vadd.s32 v1, v3  }
0x23: {  	[tilespmem:s21], [sflag:$0x1] =	stream.indirect_vreg.gather [hbm4b:s5+s2], $0x80, v4, vm0, $0xb8;
	[tilespmem:$0x10080] =	vst v63  }
0x24: {  	_ = 	snop  }
0x25: {  	[tilespmem:s22], [sflag:$0x1] =	stream.indirect_vreg.gather [hbm4b:s6+s2], $0x80, v4, vm0, $0xb8;
	[tilespmem:$0x10080] =	vst v63  }
0x26: {  	_ = 	snop  }
0x27: {  	[tilespmem:s23], [sflag:$0x1] =	stream.indirect_vreg.gather [hbm4b:s3+s2], $0x80, v3, vm0, $0xb8;
	[tilespmem:$0x10080] =	vst v63  }
0x28: {  	_ = 	snop  }
0x29: {  	[tilespmem:s24], [sflag:$0x1] =	stream.indirect_vreg.gather [hbm4b:s4+s2], $0x80, v3, vm0, $0xb8;
	[tilespmem:$0x10080] =	vst v63  }
0x2a: {  	_ = 	snop  }
0x2b: {  	[tilespmem:s25], [sflag:$0x1] =	stream.indirect_vreg.gather [hbm4b:s5+s2], $0x80, v3, vm0, $0xb8;
	[tilespmem:$0x10080] =	vst v63  }
0x2c: {  	_ = 	snop  }
0x2d: {  	[tilespmem:s26], [sflag:$0x1] =	stream.indirect_vreg.gather [hbm4b:s6+s2], $0x80, v3, vm0, $0xb8;
	[tilespmem:$0x10080] =	vst v63  }
0x2e: {  	v3 =	vld [tilespmem:$0x10010];
	_ =	sdelay $0x4  }
0x2f: {  	v57 =	vshll.u32 v3, $0x3  }
0x30: {  	v3 =	vand.u32 $0x7, v3;
	v4 =	vand.u32 $0xFFFFFFC0, v57  }
0x31: {  	v3 =	vor.u32 v3, v4  }
0x32: {  	v4 =	vperm.xlane v3, v0;
	_ =	sdelay $0x1  }
0x33: {  	v4 =	vadd.s32 v1, v4;
	_ =	sdelay $0x4  }
0x34: {  	[tilespmem:s28], [sflag:$0x1] =	stream.indirect_vreg.gather [hbm4b:s3+s2], $0x80, v4, vm0, $0xb8;
	[tilespmem:$0x10080] =	vst v63  }
0x35: {  	v3 =	vperm.xlane v3, v2  }
0x36: {  	[tilespmem:s29], [sflag:$0x1] =	stream.indirect_vreg.gather [hbm4b:s4+s2], $0x80, v4, vm0, $0xb8;
	[tilespmem:$0x10080] =	vst v63  }
0x37: {  	v3 =	vadd.s32 v1, v3  }
0x38: {  	[tilespmem:s30], [sflag:$0x1] =	stream.indirect_vreg.gather [hbm4b:s5+s2], $0x80, v4, vm0, $0xb8;
	[tilespmem:$0x10080] =	vst v63  }
0x39: {  	_ = 	snop  }
0x3a: {  	[tilespmem:s31], [sflag:$0x1] =	stream.indirect_vreg.gather [hbm4b:s6+s2], $0x80, v4, vm0, $0xb8;
	[tilespmem:$0x10080] =	vst v63  }
0x3b: {  	s0 =	simm.s32 $0x6000  }
0x3c: {  	[tilespmem:s0], [sflag:$0x1] =	stream.indirect_vreg.gather [hbm4b:s3+s2], $0x80, v3, vm0, $0xb8;
	[tilespmem:$0x10080] =	vst v63  }
0x3d: {  	_ = 	snop  }
0x3e: {  	[tilespmem:s1], [sflag:$0x1] =	stream.indirect_vreg.gather [hbm4b:s4+s2], $0x80, v3, vm0, $0xb8;
	[tilespmem:$0x10080] =	vst v63  }
0x3f: {  	_ = 	snop  }
0x40: {  	[tilespmem:s8], [sflag:$0x1] =	stream.indirect_vreg.gather [hbm4b:s5+s2], $0x80, v3, vm0, $0xb8;
	[tilespmem:$0x10080] =	vst v63  }
0x41: {  	_ = 	snop  }
0x42: {  	[tilespmem:s10], [sflag:$0x1] =	stream.indirect_vreg.gather [hbm4b:s6+s2], $0x80, v3, vm0, $0xb8;
	[tilespmem:$0x10080] =	vst v63  }
0x43: {  	v3 =	vld [tilespmem:$0x10020];
	_ =	sdelay $0x4  }
0x44: {  	v58 =	vshll.u32 v3, $0x3  }
0x45: {  	v3 =	vand.u32 $0x7, v3;
	v4 =	vand.u32 $0xFFFFFFC0, v58  }
0x46: {  	v3 =	vor.u32 v3, v4  }
0x47: {  	v4 =	vperm.xlane v3, v0;
	_ =	sdelay $0x1  }
0x48: {  	v4 =	vadd.s32 v1, v4;
	_ =	sdelay $0x4  }
0x49: {  	[tilespmem:s11], [sflag:$0x1] =	stream.indirect_vreg.gather [hbm4b:s3+s2], $0x80, v4, vm0, $0xb8;
	[tilespmem:$0x10080] =	vst v63  }
0x4a: {  	v3 =	vperm.xlane v3, v2  }
0x4b: {  	[tilespmem:s12], [sflag:$0x1] =	stream.indirect_vreg.gather [hbm4b:s4+s2], $0x80, v4, vm0, $0xb8;
	[tilespmem:$0x10080] =	vst v63  }
0x4c: {  	v3 =	vadd.s32 v1, v3  }
0x4d: {  	[tilespmem:s13], [sflag:$0x1] =	stream.indirect_vreg.gather [hbm4b:s5+s2], $0x80, v4, vm0, $0xb8;
	[tilespmem:$0x10080] =	vst v63  }
0x4e: {  	_ = 	snop  }
0x4f: {  	[tilespmem:s14], [sflag:$0x1] =	stream.indirect_vreg.gather [hbm4b:s6+s2], $0x80, v4, vm0, $0xb8;
	[tilespmem:$0x10080] =	vst v63  }
0x50: {  	_ = 	snop  }
0x51: {  	[tilespmem:s15], [sflag:$0x1] =	stream.indirect_vreg.gather [hbm4b:s3+s2], $0x80, v3, vm0, $0xb8;
	[tilespmem:$0x10080] =	vst v63  }
0x52: {  	_ = 	snop  }
0x53: {  	[tilespmem:s16], [sflag:$0x1] =	stream.indirect_vreg.gather [hbm4b:s4+s2], $0x80, v3, vm0, $0xb8;
	[tilespmem:$0x10080] =	vst v63  }
0x54: {  	s18 =	simm.s32 $0xB000  }
0x55: {  	[tilespmem:s18], [sflag:$0x1] =	stream.indirect_vreg.gather [hbm4b:s5+s2], $0x80, v3, vm0, $0xb8;
	[tilespmem:$0x10080] =	vst v63  }
0x56: {  	s18 =	simm.s32 $0xB800  }
0x57: {  	[tilespmem:s18], [sflag:$0x1] =	stream.indirect_vreg.gather [hbm4b:s6+s2], $0x80, v3, vm0, $0xb8;
	[tilespmem:$0x10080] =	vst v63  }
0x58: {  	v3 =	vld [tilespmem:$0x10030];
	_ =	sdelay $0x4  }
0x59: {  	v59 =	vshll.u32 v3, $0x3  }
0x5a: {  	v3 =	vand.u32 $0x7, v3;
	v4 =	vand.u32 $0xFFFFFFC0, v59  }
0x5b: {  	v3 =	vor.u32 v3, v4  }
0x5c: {  	v4 =	vperm.xlane v3, v0;
	_ =	sdelay $0x1  }
0x5d: {  	v4 =	vadd.s32 v1, v4;
	_ =	sdelay $0x3  }
0x5e: {  	s18 =	simm.s32 $0xC000  }
0x5f: {  	[tilespmem:s18], [sflag:$0x1] =	stream.indirect_vreg.gather [hbm4b:s3+s2], $0x80, v4, vm0, $0xb8;
	[tilespmem:$0x10080] =	vst v63  }
0x60: {  	v3 =	vperm.xlane v3, v2;
	s18 =	simm.s32 $0xC800  }
0x61: {  	[tilespmem:s18], [sflag:$0x1] =	stream.indirect_vreg.gather [hbm4b:s4+s2], $0x80, v4, vm0, $0xb8;
	[tilespmem:$0x10080] =	vst v63  }
0x62: {  	v3 =	vadd.s32 v1, v3;
	s18 =	simm.s32 $0xD000  }
0x63: {  	[tilespmem:s18], [sflag:$0x1] =	stream.indirect_vreg.gather [hbm4b:s5+s2], $0x80, v4, vm0, $0xb8;
	[tilespmem:$0x10080] =	vst v63  }
0x64: {  	s18 =	simm.s32 $0xD800  }
0x65: {  	[tilespmem:s18], [sflag:$0x1] =	stream.indirect_vreg.gather [hbm4b:s6+s2], $0x80, v4, vm0, $0xb8;
	[tilespmem:$0x10080] =	vst v63  }
0x66: {  	s18 =	simm.s32 $0xE000  }
0x67: {  	[tilespmem:s18], [sflag:$0x1] =	stream.indirect_vreg.gather [hbm4b:s3+s2], $0x80, v3, vm0, $0xb8;
	[tilespmem:$0x10080] =	vst v63  }
0x68: {  	s18 =	simm.s32 $0xE800  }
0x69: {  	[tilespmem:s18], [sflag:$0x1] =	stream.indirect_vreg.gather [hbm4b:s4+s2], $0x80, v3, vm0, $0xb8;
	[tilespmem:$0x10080] =	vst v63  }
0x6a: {  	s18 =	simm.s32 $0xF000  }
0x6b: {  	[tilespmem:s18], [sflag:$0x1] =	stream.indirect_vreg.gather [hbm4b:s5+s2], $0x80, v3, vm0, $0xb8;
	[tilespmem:$0x10080] =	vst v63  }
0x6c: {  	s18 =	simm.s32 $0xF800  }
0x6d: {  	[tilespmem:s18], [sflag:$0x1] =	stream.indirect_vreg.gather [hbm4b:s6+s2], $0x80, v3, vm0, $0xb8;
	[tilespmem:$0x10080] =	vst v63  }
0x6e: {  	_ =	swait.ge [sflag:s17], $0x10000  }
0x6f: {  	[sflag:s17] =	ssyncset.done $0x0  }
0x70: {  	s18 =	rddreg [dreg:$0x4];
	[sflag:s17] =	ssyncadd.s32 $0xFFFF0000  }
0x71: {  	[hbm4b:s18+s2] =	stream.linear.scatter [tilespmem:s2], [sflag:$0x2], $0x10000, $0x38;
	[tilespmem:$0x10080] =	vst v63  }
0x72: {  	_ =	swait.ge [sflag:s9], $0x10000  }
0x73: {  	[sflag:s9] =	ssyncset.done $0x0  }
0x74: {  	s18 =	rddreg [dreg:$0x5];
	[sflag:s9] =	ssyncadd.s32 $0xFFFF0000  }
0x75: {  	[tilespmem:s19], [sflag:$0x2] =	stream.linear.gather [hbm4b:s18+s2], $0x80, $0x38;
	[tilespmem:$0x10080] =	vst v63  }
0x76: {  	_ =	swait.ge [sflag:s9], $0x80  }
0x77: {  	[sflag:s9] =	ssyncset.done $0x0  }
0x78: {  	[sflag:s9] =	ssyncadd.s32 $0xFFFFFF80  }
0x79: {  	v3 =	vld [tilespmem:$0x10000];
	_ =	sdelay $0x4  }
0x7a: {  	v60 =	vshll.u32 v3, $0x3  }
0x7b: {  	v3 =	vand.u32 $0x7, v3;
	v4 =	vand.u32 $0xFFFFFFC0, v60  }
0x7c: {  	v3 =	vor.u32 v3, v4  }
0x7d: {  	v4 =	vperm.xlane v3, v0;
	_ =	sdelay $0x1  }
0x7e: {  	v4 =	vadd.s32 v1, v4;
	_ =	sdelay $0x4  }
0x7f: {  	[tilespmem:s2], [sflag:$0x1] =	stream.indirect_vreg.gather [hbm4b:s3+s2], $0x80, v4, vm0, $0xb8;
	[tilespmem:$0x10080] =	vst v63  }
0x80: {  	v3 =	vperm.xlane v3, v2  }
0x81: {  	[tilespmem:s20], [sflag:$0x1] =	stream.indirect_vreg.gather [hbm4b:s4+s2], $0x80, v4, vm0, $0xb8;
	[tilespmem:$0x10080] =	vst v63  }
0x82: {  	v3 =	vadd.s32 v1, v3  }
0x83: {  	[tilespmem:s21], [sflag:$0x1] =	stream.indirect_vreg.gather [hbm4b:s5+s2], $0x80, v4, vm0, $0xb8;
	[tilespmem:$0x10080] =	vst v63  }
0x84: {  	_ = 	snop  }
0x85: {  	[tilespmem:s22], [sflag:$0x1] =	stream.indirect_vreg.gather [hbm4b:s6+s2], $0x80, v4, vm0, $0xb8;
	[tilespmem:$0x10080] =	vst v63  }
0x86: {  	_ = 	snop  }
0x87: {  	[tilespmem:s23], [sflag:$0x1] =	stream.indirect_vreg.gather [hbm4b:s3+s2], $0x80, v3, vm0, $0xb8;
	[tilespmem:$0x10080] =	vst v63  }
0x88: {  	_ = 	snop  }
0x89: {  	[tilespmem:s24], [sflag:$0x1] =	stream.indirect_vreg.gather [hbm4b:s4+s2], $0x80, v3, vm0, $0xb8;
	[tilespmem:$0x10080] =	vst v63  }
0x8a: {  	_ = 	snop  }
0x8b: {  	[tilespmem:s25], [sflag:$0x1] =	stream.indirect_vreg.gather [hbm4b:s5+s2], $0x80, v3, vm0, $0xb8;
	[tilespmem:$0x10080] =	vst v63  }
0x8c: {  	_ = 	snop  }
0x8d: {  	[tilespmem:s26], [sflag:$0x1] =	stream.indirect_vreg.gather [hbm4b:s6+s2], $0x80, v3, vm0, $0xb8;
	[tilespmem:$0x10080] =	vst v63  }
0x8e: {  	v3 =	vld [tilespmem:$0x10010];
	_ =	sdelay $0x4  }
0x8f: {  	v61 =	vshll.u32 v3, $0x3  }
0x90: {  	v3 =	vand.u32 $0x7, v3;
	v4 =	vand.u32 $0xFFFFFFC0, v61  }
0x91: {  	v3 =	vor.u32 v3, v4  }
0x92: {  	v4 =	vperm.xlane v3, v0;
	_ =	sdelay $0x1  }
0x93: {  	v4 =	vadd.s32 v1, v4;
	_ =	sdelay $0x4  }
0x94: {  	[tilespmem:s28], [sflag:$0x1] =	stream.indirect_vreg.gather [hbm4b:s3+s2], $0x80, v4, vm0, $0xb8;
	[tilespmem:$0x10080] =	vst v63  }
0x95: {  	v3 =	vperm.xlane v3, v2  }
0x96: {  	[tilespmem:s29], [sflag:$0x1] =	stream.indirect_vreg.gather [hbm4b:s4+s2], $0x80, v4, vm0, $0xb8;
	[tilespmem:$0x10080] =	vst v63  }
0x97: {  	v3 =	vadd.s32 v1, v3  }
0x98: {  	[tilespmem:s30], [sflag:$0x1] =	stream.indirect_vreg.gather [hbm4b:s5+s2], $0x80, v4, vm0, $0xb8;
	[tilespmem:$0x10080] =	vst v63  }
0x99: {  	_ = 	snop  }
0x9a: {  	[tilespmem:s31], [sflag:$0x1] =	stream.indirect_vreg.gather [hbm4b:s6+s2], $0x80, v4, vm0, $0xb8;
	[tilespmem:$0x10080] =	vst v63  }
0x9b: {  	_ = 	snop  }
0x9c: {  	[tilespmem:s0], [sflag:$0x1] =	stream.indirect_vreg.gather [hbm4b:s3+s2], $0x80, v3, vm0, $0xb8;
	[tilespmem:$0x10080] =	vst v63  }
0x9d: {  	_ = 	snop  }
0x9e: {  	[tilespmem:s1], [sflag:$0x1] =	stream.indirect_vreg.gather [hbm4b:s4+s2], $0x80, v3, vm0, $0xb8;
	[tilespmem:$0x10080] =	vst v63  }
0x9f: {  	_ = 	snop  }
0xa0: {  	[tilespmem:s8], [sflag:$0x1] =	stream.indirect_vreg.gather [hbm4b:s5+s2], $0x80, v3, vm0, $0xb8;
	[tilespmem:$0x10080] =	vst v63  }
0xa1: {  	_ = 	snop  }
0xa2: {  	[tilespmem:s10], [sflag:$0x1] =	stream.indirect_vreg.gather [hbm4b:s6+s2], $0x80, v3, vm0, $0xb8;
	[tilespmem:$0x10080] =	vst v63  }
0xa3: {  	v3 =	vld [tilespmem:$0x10020];
	_ =	sdelay $0x4  }
0xa4: {  	v62 =	vshll.u32 v3, $0x3  }
0xa5: {  	v3 =	vand.u32 $0x7, v3;
	v4 =	vand.u32 $0xFFFFFFC0, v62  }
0xa6: {  	v3 =	vor.u32 v3, v4  }
0xa7: {  	v4 =	vperm.xlane v3, v0;
	_ =	sdelay $0x1  }
0xa8: {  	v4 =	vadd.s32 v1, v4;
	_ =	sdelay $0x4  }
0xa9: {  	[tilespmem:s11], [sflag:$0x1] =	stream.indirect_vreg.gather [hbm4b:s3+s2], $0x80, v4, vm0, $0xb8;
	[tilespmem:$0x10080] =	vst v63  }
0xaa: {  	v3 =	vperm.xlane v3, v2  }
0xab: {  	[tilespmem:s12], [sflag:$0x1] =	stream.indirect_vreg.gather [hbm4b:s4+s2], $0x80, v4, vm0, $0xb8;
	[tilespmem:$0x10080] =	vst v63  }
0xac: {  	v3 =	vadd.s32 v1, v3  }
0xad: {  	[tilespmem:s13], [sflag:$0x1] =	stream.indirect_vreg.gather [hbm4b:s5+s2], $0x80, v4, vm0, $0xb8;
	[tilespmem:$0x10080] =	vst v63  }
0xae: {  	_ = 	snop  }
0xaf: {  	[tilespmem:s14], [sflag:$0x1] =	stream.indirect_vreg.gather [hbm4b:s6+s2], $0x80, v4, vm0, $0xb8;
	[tilespmem:$0x10080] =	vst v63  }
0xb0: {  	_ = 	snop  }
0xb1: {  	[tilespmem:s15], [sflag:$0x1] =	stream.indirect_vreg.gather [hbm4b:s3+s2], $0x80, v3, vm0, $0xb8;
	[tilespmem:$0x10080] =	vst v63  }
0xb2: {  	_ = 	snop  }
0xb3: {  	[tilespmem:s16], [sflag:$0x1] =	stream.indirect_vreg.gather [hbm4b:s4+s2], $0x80, v3, vm0, $0xb8;
	[tilespmem:$0x10080] =	vst v63  }
0xb4: {  	s18 =	simm.s32 $0xB000  }
0xb5: {  	[tilespmem:s18], [sflag:$0x1] =	stream.indirect_vreg.gather [hbm4b:s5+s2], $0x80, v3, vm0, $0xb8;
	[tilespmem:$0x10080] =	vst v63  }
0xb6: {  	s18 =	simm.s32 $0xB800  }
0xb7: {  	[tilespmem:s18], [sflag:$0x1] =	stream.indirect_vreg.gather [hbm4b:s6+s2], $0x80, v3, vm0, $0xb8;
	[tilespmem:$0x10080] =	vst v63  }
0xb8: {  	v3 =	vld [tilespmem:$0x10030];
	_ =	sdelay $0x4  }
0xb9: {  	v63 =	vshll.u32 v3, $0x3  }
0xba: {  	v3 =	vand.u32 $0x7, v3;
	v4 =	vand.u32 $0xFFFFFFC0, v63  }
0xbb: {  	v3 =	vor.u32 v3, v4  }
0xbc: {  	v4 =	vperm.xlane v3, v0;
	_ =	sdelay $0x1  }
0xbd: {  	v4 =	vadd.s32 v1, v4;
	_ =	sdelay $0x3  }
0xbe: {  	s18 =	simm.s32 $0xC000  }
0xbf: {  	[tilespmem:s18], [sflag:$0x1] =	stream.indirect_vreg.gather [hbm4b:s3+s2], $0x80, v4, vm0, $0xb8;
	[tilespmem:$0x10080] =	vst v63  }
0xc0: {  	v3 =	vperm.xlane v3, v2;
	s18 =	simm.s32 $0xC800  }
0xc1: {  	[tilespmem:s18], [sflag:$0x1] =	stream.indirect_vreg.gather [hbm4b:s4+s2], $0x80, v4, vm0, $0xb8;
	[tilespmem:$0x10080] =	vst v63  }
0xc2: {  	v3 =	vadd.s32 v1, v3;
	s18 =	simm.s32 $0xD000  }
0xc3: {  	[tilespmem:s18], [sflag:$0x1] =	stream.indirect_vreg.gather [hbm4b:s5+s2], $0x80, v4, vm0, $0xb8;
	[tilespmem:$0x10080] =	vst v63  }
0xc4: {  	s18 =	simm.s32 $0xD800  }
0xc5: {  	[tilespmem:s18], [sflag:$0x1] =	stream.indirect_vreg.gather [hbm4b:s6+s2], $0x80, v4, vm0, $0xb8;
	[tilespmem:$0x10080] =	vst v63  }
0xc6: {  	s18 =	simm.s32 $0xE000  }
0xc7: {  	[tilespmem:s18], [sflag:$0x1] =	stream.indirect_vreg.gather [hbm4b:s3+s2], $0x80, v3, vm0, $0xb8;
	[tilespmem:$0x10080] =	vst v63  }
0xc8: {  	s18 =	simm.s32 $0xE800  }
0xc9: {  	[tilespmem:s18], [sflag:$0x1] =	stream.indirect_vreg.gather [hbm4b:s4+s2], $0x80, v3, vm0, $0xb8;
	[tilespmem:$0x10080] =	vst v63  }
0xca: {  	s18 =	simm.s32 $0xF000  }
0xcb: {  	[tilespmem:s18], [sflag:$0x1] =	stream.indirect_vreg.gather [hbm4b:s5+s2], $0x80, v3, vm0, $0xb8;
	[tilespmem:$0x10080] =	vst v63  }
0xcc: {  	s18 =	simm.s32 $0xF800  }
0xcd: {  	[tilespmem:s18], [sflag:$0x1] =	stream.indirect_vreg.gather [hbm4b:s6+s2], $0x80, v3, vm0, $0xb8;
	[tilespmem:$0x10080] =	vst v63  }
0xce: {  	_ =	swait.ge [sflag:s17], $0x10000  }
0xcf: {  	p0 =	sne.s32 s7, $0x1;
	[sflag:s17] =	ssyncset.done $0x0  }
.Ltmp0:
0xd0: {  	s0 =	rddreg [dreg:$0x6];
	[sflag:s17] =	ssyncadd.s32 $0xFFFF0000;
	(pc) =	sbr.rel @p0 .LBB2_1-.Ltmp0, $4  }
0xd1: {  	[hbm4b:s0+s2] =	stream.linear.scatter [tilespmem:s2], [sflag:$0x2], $0x10000, $0x38;
	[tilespmem:$0x10080] =	vst v63  }
0xd2: {  	_ =	swait.ge [sflag:s9], $0x10000  }
0xd3: {  	[sflag:s9] =	ssyncset.done $0x0  }
0xd4: {  	s7 =	sadd.s32 $0xFFFFFFFF, s7;
	[sflag:s9] =	ssyncadd.s32 $0xFFFF0000  }
0xd5: {  	_ =	sfence.sel $0x180000  }
0xd6: {  	[bflag:$0x0] =	sbarrier.arrive $0xFFFF  }
0xd7: {  	_ =	strace $0x9000004A  }
0xd8: {  	s0 =	stileid.u32;
	[bflag:$0x2] =	sbarrier.arrive $0xFFFF  }
0xd9: {  	p0 =	sne.s32 s0, $0x0;
	s0 =	rddreg [dreg:$0x2]  }
0xda: {  	s0 =	sadd.s32 @!p0 $0x100000, s0  }
0xdb: {  	[sflag:s0] =	ssyncadd.tile.s32 @!p0 $0x1;
	_ =	shalt  }
.Lfunc_end2:
_tile_overlayer_lowered:
.L_overlay_start_2:
0xdc: {  	(tag) =	ssettag $0x2  }
0xdd: {  	s0 =	rddreg [dreg:$0x0];
	s2 =	stileid.u32  }
0xde: {  	s1 =	rddreg [dreg:$0x1];
	p0 =	sne.s32 s2, $0x0  }
0xdf: {  	s3 =	rddreg [dreg:$0x2];
	[bflag:$0x3] =	sbarrier.arrive $0xFFFF;
	s2 =	simm.s32 @!p0 $0x1C02  }
0xe0: {  	[timem:s3], [sflag:s2] =	dma.local @!p0 [hbm:s0], s1  }
0xe1: {  	s0 =	simm.s32 @!p0 $0x2  }
0xe2: {  	_ =	swait.ge @!p0 [sflag:s0], s1  }
0xe3: {  	s1 =	ssub.s32 @!p0 $0x0, s1;
	[sflag:s0] =	ssyncset.done @!p0 $0x0  }
0xe4: {  	[sflag:s0] =	ssyncadd.s32 @!p0 s1  }
0xe5: {  	[bflag:$0x3] =	sbarrier.arrive $0xFFFF  }
0xe6: {  	_ =	shalt  }

// kernel: kernel.7.cloned.1.call-start
scs
__scs_entry_jumppad:
0x0: {  	(pc) =	sbr.rel $0x88, $3  }
0x1: {  	(tag) =	ssettag $0x0;
	lr =	simm.s32 $0x1  }
0x2: {  	[smem:$0x3F9C] =	sst lr;
	_ =	strace $0xD0000000  }
0x3: {  	_ = 	snop  }
0x4: {  	_ = 	snop  }
0x5: {  	_ = 	snop  }
0x6: {  	_ = 	snop  }
0x7: {  	_ = 	snop  }
__scs_overlays_trampoline_lowered:
0x8: {  	[smem:$0x3FAB] =	sst s0  }
0x9: {  	[smem:$0x3FAC] =	sst s1  }
0xa: {  	[smem:$0x3FAD] =	sst s2  }
0xb: {  	[smem:$0x3FAE] =	sst s3  }
0xc: {  	[smem:$0x3FAF] =	sst s4  }
0xd: {  	[smem:$0x3FB0] =	sst s5  }
0xe: {  	[smem:$0x3FB1] =	sst s6  }
0xf: {  	[smem:$0x3FB2] =	sst s7  }
0x10: {  	[smem:$0x3FB3] =	sst s8  }
0x11: {  	[smem:$0x3FB4] =	sst s9;
	s0 =	simm.s32 @!p0 $0x0  }
0x12: {  	s1 =	sld [smem:$0x3F9A];
	s0 =	simm.s32 @p0 $0x1  }
0x13: {  	[smem:$0x3FB5] =	sst s0;
	s0 =	simm.s32 @!p1 $0x0  }
0x14: {  	s2 =	sld [smem:$0x3F99];
	s0 =	simm.s32 @p1 $0x1  }
0x15: {  	[smem:$0x3FB6] =	sst s0;
	s0 =	simm.s32 @!p2 $0x0  }
0x16: {  	s3 =	sld [smem:$0x3FDB];
	s0 =	simm.s32 @p2 $0x1  }
0x17: {  	s4 =	simm.s32 $0x1BF5;
	[smem:$0x3FB8] =	sst s0  }
0x18: {  	s0 =	sld [smem:$0x3F9B];
	_ =	swait.ge [sflag:s4], $0x0  }
0x19: {  	s7 =	sld [smem:$0x3F9C]  }
0x1a: {  	s8 =	sadd.s32 $0xFFFFE003, lr  }
0x1b: {  	s9 =	sadd.s32 $0xFFFFFEF7, lr;
	s5 =	simm.s32 $0xFFFFFFFF;
	p2 =	slt.u32 s8, $0xFFFFF086  }
0x1c: {  	p1 =	slt.u32 s9, $0xF7A;
	s5 =	simm.s32 @!p2 $0x0  }
0x1d: {  	s5 =	simm.s32 @p1 $0x1;
	p0 =	seq.s32 s7, s2  }
0x1e: {  	s7 =	smul.u32 @!p0 $0xF7A, s2;
	p2 =	seq.s32 @!p0 s5, $0x0  }
0x1f: {  	s9 =	smul.u32 $0xF7A, s1;
	s8 =	simm.s32 @!p0 $0x1BF5;
	p2 =	por !p2, p0  }
0x20: {  	[sflag:s8] =	ssyncset.s32 @!p0 $0xFFFFF086;
	s6 =	sadd.s32 @!p0 s3, s7;
	s7 =	simm.s32 @!p0 $0x108  }
0x21: {  	s3 =	sadd.s32 s3, s9;
	s6 =	sadd.s32 @!p0 $0x88, s6;
	s7 =	simm.s32 @p2 $0x1082  }
0x22: {  	[simem:s7], [sflag:s8] =	dma.local @!p0 [hbm:s6], $0xF7A  }
0x23: {  	s9 =	sor.u32 $0xD0000000, s2;
	s6 =	simm.s32 $0x108;
	_ =	swait.ge @!p0 [sflag:s8], $0x0  }
0x24: {  	s3 =	sadd.s32 $0x88, s3;
	s6 =	simm.s32 @!p1 $0x1082;
	[sflag:s4] =	ssyncset.s32 $0xFFFFF086  }
0x25: {  	[simem:s6], [sflag:s4] =	dma.local [hbm:s3], $0xF7A  }
0x26: {  	[smem:$0x3F9C] =	sst s1;
	(tag) =	ssettag s2;
	_ =	strace s9  }
0x27: {  	s1 =	sld [smem:$0x3FAC]  }
0x28: {  	s2 =	sld [smem:$0x3FAD]  }
0x29: {  	s4 =	sld [smem:$0x3FAF]  }
0x2a: {  	p0 =	seq.s32 s5, $0x0;
	s5 =	sld [smem:$0x3FB0]  }
0x2b: {  	s6 =	sld [smem:$0x3FB1]  }
0x2c: {  	s7 =	sld [smem:$0x3FB2]  }
0x2d: {  	s3 =	simm.s32 $0x108;
	s8 =	sld [smem:$0x3FB3]  }
0x2e: {  	s3 =	simm.s32 @!p0 $0x1082;
	s9 =	sld [smem:$0x3FB4]  }
0x2f: {  	lr =	sadd.s32 s0, s3;
	s0 =	sld [smem:$0x3FAB]  }
0x30: {  	s3 =	sld [smem:$0x3FAE]  }
0x31: {  	[smem:$0x3FB7] =	sst s10  }
0x32: {  	s10 =	sld [smem:$0x3FB5];
	_ =	sdelay $0x3  }
0x33: {  	p0 =	seq.s32 s10, $0x1;
	s10 =	sld [smem:$0x3FB7];
	_ =	sdelay $0x3  }
0x34: {  	[smem:$0x3FB7] =	sst s10  }
0x35: {  	s10 =	sld [smem:$0x3FB6];
	_ =	sdelay $0x3  }
0x36: {  	p1 =	seq.s32 s10, $0x1;
	s10 =	sld [smem:$0x3FB7];
	_ =	sdelay $0x3  }
0x37: {  	[smem:$0x3FB7] =	sst s10  }
0x38: {  	s10 =	sld [smem:$0x3FB8]  }
0x39: {  	_ = 	snop;
	(pc) =	sbr.ind lr, $3  }
0x3a: {  	_ = 	snop  }
0x3b: {  	_ = 	snop  }
0x3c: {  	p2 =	seq.s32 s10, $0x1;
	s10 =	sld [smem:$0x3FB7]  }
0x3d: {  	_ =	shalt  }
0x3e: {  	_ =	shalt  }
0x3f: {  	_ =	shalt  }
0x40: {  	_ =	shalt  }
0x41: {  	_ =	shalt  }
0x42: {  	_ =	shalt  }
0x43: {  	_ =	shalt  }
0x44: {  	_ =	shalt  }
0x45: {  	_ =	shalt  }
0x46: {  	_ =	shalt  }
0x47: {  	_ =	shalt  }
0x48: {  	_ =	shalt  }
0x49: {  	_ =	shalt  }
0x4a: {  	_ =	shalt  }
0x4b: {  	_ =	shalt  }
0x4c: {  	_ =	shalt  }
0x4d: {  	_ =	shalt  }
0x4e: {  	_ =	shalt  }
0x4f: {  	_ =	shalt  }
0x50: {  	_ =	shalt  }
0x51: {  	_ =	shalt  }
0x52: {  	_ =	shalt  }
0x53: {  	_ =	shalt  }
0x54: {  	_ =	shalt  }
0x55: {  	_ =	shalt  }
0x56: {  	_ =	shalt  }
0x57: {  	_ =	shalt  }
0x58: {  	_ =	shalt  }
0x59: {  	_ =	shalt  }
0x5a: {  	_ =	shalt  }
0x5b: {  	_ =	shalt  }
0x5c: {  	_ =	shalt  }
0x5d: {  	_ =	shalt  }
0x5e: {  	_ =	shalt  }
0x5f: {  	_ =	shalt  }
0x60: {  	_ =	shalt  }
0x61: {  	_ =	shalt  }
0x62: {  	_ =	shalt  }
0x63: {  	_ =	shalt  }
0x64: {  	_ =	shalt  }
0x65: {  	_ =	shalt  }
0x66: {  	_ =	shalt  }
0x67: {  	_ =	shalt  }
0x68: {  	_ =	shalt  }
0x69: {  	_ =	shalt  }
0x6a: {  	_ =	shalt  }
0x6b: {  	_ =	shalt  }
0x6c: {  	_ =	shalt  }
0x6d: {  	_ =	shalt  }
0x6e: {  	_ =	shalt  }
0x6f: {  	_ =	shalt  }
0x70: {  	_ =	shalt  }
0x71: {  	_ =	shalt  }
0x72: {  	_ =	shalt  }
0x73: {  	_ =	shalt  }
0x74: {  	_ =	shalt  }
0x75: {  	_ =	shalt  }
0x76: {  	_ =	shalt  }
0x77: {  	_ =	shalt  }
0x78: {  	_ =	shalt  }
0x79: {  	_ =	shalt  }
0x7a: {  	_ =	shalt  }
0x7b: {  	_ =	shalt  }
0x7c: {  	_ =	shalt  }
0x7d: {  	_ =	shalt  }
0x7e: {  	_ =	shalt  }
0x7f: {  	_ =	shalt  }
0x80: {  	_ =	shalt  }
0x81: {  	_ =	shalt  }
0x82: {  	_ =	shalt  }
0x83: {  	_ =	shalt  }
0x84: {  	_ =	shalt  }
0x85: {  	_ =	shalt  }
0x86: {  	_ =	shalt  }
0x87: {  	_ =	shalt  }
.Lfunc_end0:
.L_simem_size_0:
called_computation_lowered:
.L_overlay_start_0:
0x88: {  	s2 =	sld [smem:$0x3FD9]  }
0x89: {  	s3 =	sld [smem:$0x3FFE];
	_ =	sdelay $0x1  }
0x8a: {  	s1 =	srdreg.scid  }
0x8b: {  	s0 =	sand.u32 $0x1, s1  }
0x8c: {  	s17 =	sshll.u32 s0, $0xA;
	s2 =	sadd.s32 s3, s2  }
0x8d: {  	s2 =	sadd.s32 s2, s17  }
0x8e: {  	[smem:$0x3FC3] =	sst s2  }
0x8f: {  	_ = 	snop  }
0x90: {  	s2 =	sld [smem:$0x3FC9]  }
0x91: {  	s18 =	sld [smem:$0x3FD0];
	(tm) =	ssettm $0x1  }
0x92: {  	s4 =	sld [smem:$0x3FFB];
	_ =	sdelay $0x3  }
0x93: {  	_ =	strace s4  }
0x94: {  	s4 =	sld [smem:$0x3FFC];
	_ =	sdelay $0x3  }
0x95: {  	_ =	strace s4  }
0x96: {  	s4 =	sld [smem:$0x3FFD];
	_ =	sdelay $0x3  }
0x97: {  	_ =	strace s4  }
0x98: {  	_ =	strace $0x8FFFFFFF  }
0x99: {  	s19 =	sld [smem:$0x3FDB];
	_ =	sdelay $0x1  }
0x9a: {  	s5 =	simm.s32 $_scs_section_size  }
0x9b: {  	s6 =	simm.s32 $_size__tile_overlayer_lowered;
	s7 =	simm.s32 $_tile_overlayer_lowered  }
0x9c: {  	s22 =	simm.s32 $0x1BFF;
	s21 =	sshll.u32 s7, $0x1;
	s4 =	sadd.s32 s5, s19  }
0x9d: {  	s8 =	simm.s32 $0x0;
	s20 =	sshll.u32 s6, $0x1;
	s6 =	sadd.s32 s21, s4  }
0x9e: {  	[timem:s8], [sflag:s22] =	dma.local [hbm:s6], s20  }
0x9f: {  	_ =	swait.ge [sflag:s22], s20  }
0xa0: {  	s5 =	ssub.s32 $0x0, s20;
	[sflag:s22] =	ssyncset.done $0x0  }
0xa1: {  	[sflag:s22] =	ssyncadd.s32 s5;
	_ =	sdelay $0x1  }
0xa2: {  	s23 =	simm.s32 $0x1B8B  }
0xa3: {  	_ =	swait.ge [sflag:s23], $0x1  }
0xa4: {  	[sflag:s23] =	ssyncset.done $0x0  }
0xa5: {  	s25 =	simm.s32 $0x1B8E;
	s24 =	sld [smem:$0x3FFE];
	[sflag:s23] =	ssyncadd.s32 $0xFFFFFFFF  }
0xa6: {  	s26 =	simm.s32 $execute0_lowered;
	[smem:$0x3FD2] =	sst s25  }
0xa7: {  	s6 =	sshll.u32 s26, $0x1;
	_ =	strace $0x80000046;
	[dreg:$0x1] =	wrdreg $0xFFFFFFFF  }
0xa8: {  	s28 =	simm.s32 $_size_execute0_lowered;
	s4 =	sadd.s32 s4, s6;
	[dreg:$0x0] =	wrdreg $0x0  }
0xa9: {  	s6 =	sshll.u32 s28, $0x1;
	[dreg:$0x2] =	wrdreg s4  }
0xaa: {  	[dreg:$0x3] =	wrdreg s6  }
0xab: {  	[dreg:$0x4] =	wrdreg $0xC0  }
0xac: {  	_ =	task [dreg:s8], $0x5FFFF  }
0xad: {  	[dreg:$0x1] =	wrdreg $0xFFFFFFFF  }
0xae: {  	[dreg:$0x0] =	wrdreg $0x60  }
0xaf: {  	[dreg:$0x2] =	wrdreg s2  }
0xb0: {  	[dreg:$0x3] =	wrdreg s24  }
0xb1: {  	[dreg:$0x4] =	wrdreg s18  }
0xb2: {  	[dreg:$0x5] =	wrdreg $0x9  }
0xb3: {  	_ =	task.clear_ibuf [dreg:s8], $0x6FFFF;
	_ =	strace $0x90000046  }
0xb4: {  	s29 =	simm.s32 $0x9;
	_ =	strace $0x80000048  }
0xb5: {  	_ =	swait.ge [sflag:s29], $0x1  }
0xb6: {  	[sflag:s29] =	ssyncadd.s32 $0xFFFFFFFF  }
0xb7: {  	_ =	strace $0x90000048  }
0xb8: {  	_ =	sfence  }
0xb9: {  	s30 =	sld [smem:$0x0];
	_ =	sdelay $0x2  }
0xba: {  	s31 =	sshll.u32 s1, $0xD;
	s1 =	sshrl.u32 s1, $0x2  }
0xbb: {  	s3 =	sand.u32 $0x4000, s31;
	s1 =	sadd.s32 s1, s30  }
0xbc: {  	s0 =	sor.u32 s3, s0;
	s1 =	sshll.u32 s1, $0x11  }
0xbd: {  	s0 =	sor.u32 s1, s0  }
0xbe: {  	s0 =	sadd.s32 $0x8F2B, s0  }
0xbf: {  	[sflag:s0] =	ssyncadd.remote.s32 $0x1  }
0xc0: {  	_ =	sfence.sel $0xFFFF  }
0xc1: {  	[dreg:$0x0] =	wrdreg $0xFFFFFFFF;
	(pc) =	sbr.abs _section_cstart, $3  }
0xc2: {  	[dreg:$0x1] =	wrdreg $0xFFFFFFFF  }
0xc3: {  	_ =	task.clear_ibuf [dreg:s8], $0x2FFFF;
	_ =	strace $0x9FFFFFFF  }
0xc4: {  	(tm) =	ssettm $0x7FFFFFFF  }
0xc5: {  	_ =	shalt  }
tec
execute0_lowered:
.L_overlay_start_1:
0x0: {  	(tag) =	ssettag $0x1  }
0x1: {  	s0 =	rddreg [dreg:$0x0]  }
0x2: {  	s1 =	rddreg [dreg:$0x1];
	s2 =	srdreg.scid  }
0x3: {  	s4 =	stileid.u32;
	s3 =	simm.s32 $0x0;
	s9 =	simm.s32 $0x2  }
0x4: {  	s19 =	simm.s32 $0x1;
	s28 =	simm.s32 $0x2000;
	s29 =	simm.s32 $0x2800  }
0x5: {  	s30 =	simm.s32 $0x3000;
	s31 =	simm.s32 $0x3800;
	s11 =	simm.s32 $0x5800  }
0x6: {  	s12 =	simm.s32 $0x6000;
	s13 =	simm.s32 $0x6800;
	s14 =	simm.s32 $0x7000  }
0x7: {  	s15 =	simm.s32 $0x7800;
	s16 =	simm.s32 $0x8000;
	s17 =	simm.s32 $0x8800  }
0x8: {  	s18 =	simm.s32 $0x9000;
	s10 =	simm.s32 $0xA000;
	s20 =	simm.s32 $0xA800  }
0x9: {  	s2 =	sand.u32 $0x1, s2;
	s4 =	sshll.u32 s4, $0x1;
	[smem:$0x7FF] =	sst s3  }
0xa: {  	s4 =	sor.u32 s2, s4;
	_ =	strace $0x80000047;
	s2 =	ssub.s32 $0x2, s2  }
0xb: {  	s5 =	sshll.u32 s4, $0x5;
	s6 =	sshll.u32 s4, $0xA;
	s21 =	sshll.u32 s4, $0xD  }
0xc: {  	s4 =	sadd.s32 $0x11400, s1;
	s22 =	sshrl.u32 s2, $0x1;
	s7 =	sadd.s32 s5, s1  }
0xd: {  	s8 =	sadd.s32 s6, s1;
	s0 =	sadd.s32 s0, s21;
	s2 =	ssub.s32 s2, s22  }
0xe: {  	s5 =	sadd.s32 $0x11500, s1;
	[dreg:$0x4] =	wrdreg s0;
	s23 =	sadd.s32 $0x1000, s7  }
0xf: {  	s6 =	sadd.s32 $0x11600, s1;
	s24 =	sadd.s32 $0x1400, s8;
	[dreg:$0x5] =	wrdreg s23  }
0x10: {  	s21 =	simm.s32 $0x9800;
	s25 =	sadd.s32 $0x1010, s7;
	[dreg:$0x6] =	wrdreg s24  }
0x11: {  	v2 =	vlaneseq.u32;
	s26 =	sadd.s32 $0x9400, s8;
	s7 =	sadd.s32 $0x11700, s1;
	[dreg:$0x7] =	wrdreg s25  }
0x12: {  	vm0 =	vmmov $0xffff;
	v1 =	vshrl.u32 v2, $0x3;
	s8 =	smax.u32 s2, $0x1;
	s1 =	simm.s32 $0x10000;
	[dreg:$0x8] =	wrdreg s26  }
0x13: {  	v0 =	vand.u32 $0x7, v2;
	v2 =	vor.u32 $0x8, v2;
	v1 =	vmul.u32 $0x8, v1;
	s24 =	simm.s32 $0x800;
	s25 =	simm.s32 $0x1000;
	s26 =	simm.s32 $0x1800  }
.LBB2_1:
0x14: {  	s22 =	rddreg [dreg:$0x4]  }
0x15: {  	[tilespmem:s3], [sflag:$0x2] =	stream.linear.gather [hbm4b:s22+s3], $0x10000, $0x38;
	[tilespmem:$0x12080] =	vst v63  }
0x16: {  	_ =	swait.ge [sflag:s9], $0x10000  }
0x17: {  	[sflag:s9] =	ssyncset.done $0x0  }
0x18: {  	s0 =	simm.s32 $0x12000;
	s2 =	rddreg [dreg:$0x5];
	[sflag:s9] =	ssyncadd.s32 $0xFFFF0000  }
0x19: {  	[tilespmem:s0], [sflag:$0x2] =	stream.linear.gather [hbm4b:s2+s3], $0x80, $0x38;
	[tilespmem:$0x12080] =	vst v63  }
0x1a: {  	_ =	swait.ge [sflag:s9], $0x80  }
0x1b: {  	[sflag:s9] =	ssyncset.done $0x0  }
0x1c: {  	[sflag:s9] =	ssyncadd.s32 $0xFFFFFF80  }
0x1d: {  	v3 =	vld [tilespmem:$0x12000];
	_ =	sdelay $0x4  }
0x1e: {  	v4 =	vshll.u32 v3, $0x3  }
0x1f: {  	v3 =	vand.u32 $0x7, v3;
	v4 =	vand.u32 $0xFFFFFFC0, v4  }
0x20: {  	v3 =	vor.u32 v3, v4  }
0x21: {  	v4 =	vperm.xlane v3, v0;
	_ =	sdelay $0x1  }
0x22: {  	v4 =	vadd.s32 v1, v4;
	_ =	sdelay $0x4  }
0x23: {  	[hbm4b:s4+s3] =	stream.indirect_vreg.scatter [tilespmem:s3], [sflag:$0x1], $0x80, v4, vm0, $0xb8;
	[tilespmem:$0x12080] =	vst v63  }
0x24: {  	v3 =	vperm.xlane v3, v2  }
0x25: {  	[hbm4b:s5+s3] =	stream.indirect_vreg.scatter [tilespmem:s24], [sflag:$0x1], $0x80, v4, vm0, $0xb8;
	[tilespmem:$0x12080] =	vst v63  }
0x26: {  	v3 =	vadd.s32 v1, v3  }
0x27: {  	[hbm4b:s6+s3] =	stream.indirect_vreg.scatter [tilespmem:s25], [sflag:$0x1], $0x80, v4, vm0, $0xb8;
	[tilespmem:$0x12080] =	vst v63  }
0x28: {  	_ = 	snop  }
0x29: {  	[hbm4b:s7+s3] =	stream.indirect_vreg.scatter [tilespmem:s26], [sflag:$0x1], $0x80, v4, vm0, $0xb8;
	[tilespmem:$0x12080] =	vst v63  }
0x2a: {  	_ = 	snop  }
0x2b: {  	[hbm4b:s4+s3] =	stream.indirect_vreg.scatter [tilespmem:s28], [sflag:$0x1], $0x80, v3, vm0, $0xb8;
	[tilespmem:$0x12080] =	vst v63  }
0x2c: {  	_ = 	snop  }
0x2d: {  	[hbm4b:s5+s3] =	stream.indirect_vreg.scatter [tilespmem:s29], [sflag:$0x1], $0x80, v3, vm0, $0xb8;
	[tilespmem:$0x12080] =	vst v63  }
0x2e: {  	_ = 	snop  }
0x2f: {  	[hbm4b:s6+s3] =	stream.indirect_vreg.scatter [tilespmem:s30], [sflag:$0x1], $0x80, v3, vm0, $0xb8;
	[tilespmem:$0x12080] =	vst v63  }
0x30: {  	_ = 	snop  }
0x31: {  	[hbm4b:s7+s3] =	stream.indirect_vreg.scatter [tilespmem:s31], [sflag:$0x1], $0x80, v3, vm0, $0xb8;
	[tilespmem:$0x12080] =	vst v63  }
0x32: {  	v3 =	vld [tilespmem:$0x12010];
	_ =	sdelay $0x4  }
0x33: {  	v57 =	vshll.u32 v3, $0x3  }
0x34: {  	v3 =	vand.u32 $0x7, v3;
	v4 =	vand.u32 $0xFFFFFFC0, v57  }
0x35: {  	v3 =	vor.u32 v3, v4  }
0x36: {  	v4 =	vperm.xlane v3, v0;
	_ =	sdelay $0x1  }
0x37: {  	v4 =	vadd.s32 v1, v4;
	_ =	sdelay $0x3  }
0x38: {  	s23 =	simm.s32 $0x4000  }
0x39: {  	[hbm4b:s4+s3] =	stream.indirect_vreg.scatter [tilespmem:s23], [sflag:$0x1], $0x80, v4, vm0, $0xb8;
	[tilespmem:$0x12080] =	vst v63  }
0x3a: {  	s2 =	simm.s32 $0x4800;
	v3 =	vperm.xlane v3, v2  }
0x3b: {  	[hbm4b:s5+s3] =	stream.indirect_vreg.scatter [tilespmem:s2], [sflag:$0x1], $0x80, v4, vm0, $0xb8;
	[tilespmem:$0x12080] =	vst v63  }
0x3c: {  	v3 =	vadd.s32 v1, v3;
	s2 =	simm.s32 $0x5000  }
0x3d: {  	[hbm4b:s6+s3] =	stream.indirect_vreg.scatter [tilespmem:s2], [sflag:$0x1], $0x80, v4, vm0, $0xb8;
	[tilespmem:$0x12080] =	vst v63  }
0x3e: {  	_ = 	snop  }
0x3f: {  	[hbm4b:s7+s3] =	stream.indirect_vreg.scatter [tilespmem:s11], [sflag:$0x1], $0x80, v4, vm0, $0xb8;
	[tilespmem:$0x12080] =	vst v63  }
0x40: {  	_ = 	snop  }
0x41: {  	[hbm4b:s4+s3] =	stream.indirect_vreg.scatter [tilespmem:s12], [sflag:$0x1], $0x80, v3, vm0, $0xb8;
	[tilespmem:$0x12080] =	vst v63  }
0x42: {  	_ = 	snop  }
0x43: {  	[hbm4b:s5+s3] =	stream.indirect_vreg.scatter [tilespmem:s13], [sflag:$0x1], $0x80, v3, vm0, $0xb8;
	[tilespmem:$0x12080] =	vst v63  }
0x44: {  	_ = 	snop  }
0x45: {  	[hbm4b:s6+s3] =	stream.indirect_vreg.scatter [tilespmem:s14], [sflag:$0x1], $0x80, v3, vm0, $0xb8;
	[tilespmem:$0x12080] =	vst v63  }
0x46: {  	_ = 	snop  }
0x47: {  	[hbm4b:s7+s3] =	stream.indirect_vreg.scatter [tilespmem:s15], [sflag:$0x1], $0x80, v3, vm0, $0xb8;
	[tilespmem:$0x12080] =	vst v63  }
0x48: {  	v3 =	vld [tilespmem:$0x12020];
	_ =	sdelay $0x4  }
0x49: {  	v58 =	vshll.u32 v3, $0x3  }
0x4a: {  	v3 =	vand.u32 $0x7, v3;
	v4 =	vand.u32 $0xFFFFFFC0, v58  }
0x4b: {  	v3 =	vor.u32 v3, v4  }
0x4c: {  	v4 =	vperm.xlane v3, v0;
	_ =	sdelay $0x1  }
0x4d: {  	v4 =	vadd.s32 v1, v4;
	_ =	sdelay $0x4  }
0x4e: {  	[hbm4b:s4+s3] =	stream.indirect_vreg.scatter [tilespmem:s16], [sflag:$0x1], $0x80, v4, vm0, $0xb8;
	[tilespmem:$0x12080] =	vst v63  }
0x4f: {  	v3 =	vperm.xlane v3, v2  }
0x50: {  	[hbm4b:s5+s3] =	stream.indirect_vreg.scatter [tilespmem:s17], [sflag:$0x1], $0x80, v4, vm0, $0xb8;
	[tilespmem:$0x12080] =	vst v63  }
0x51: {  	v3 =	vadd.s32 v1, v3  }
0x52: {  	[hbm4b:s6+s3] =	stream.indirect_vreg.scatter [tilespmem:s18], [sflag:$0x1], $0x80, v4, vm0, $0xb8;
	[tilespmem:$0x12080] =	vst v63  }
0x53: {  	_ = 	snop  }
0x54: {  	[hbm4b:s7+s3] =	stream.indirect_vreg.scatter [tilespmem:s21], [sflag:$0x1], $0x80, v4, vm0, $0xb8;
	[tilespmem:$0x12080] =	vst v63  }
0x55: {  	_ = 	snop  }
0x56: {  	[hbm4b:s4+s3] =	stream.indirect_vreg.scatter [tilespmem:s10], [sflag:$0x1], $0x80, v3, vm0, $0xb8;
	[tilespmem:$0x12080] =	vst v63  }
0x57: {  	_ = 	snop  }
0x58: {  	[hbm4b:s5+s3] =	stream.indirect_vreg.scatter [tilespmem:s20], [sflag:$0x1], $0x80, v3, vm0, $0xb8;
	[tilespmem:$0x12080] =	vst v63  }
0x59: {  	s22 =	simm.s32 $0xB000  }
0x5a: {  	[hbm4b:s6+s3] =	stream.indirect_vreg.scatter [tilespmem:s22], [sflag:$0x1], $0x80, v3, vm0, $0xb8;
	[tilespmem:$0x12080] =	vst v63  }
0x5b: {  	s23 =	simm.s32 $0xB800  }
0x5c: {  	[hbm4b:s7+s3] =	stream.indirect_vreg.scatter [tilespmem:s23], [sflag:$0x1], $0x80, v3, vm0, $0xb8;
	[tilespmem:$0x12080] =	vst v63  }
0x5d: {  	v3 =	vld [tilespmem:$0x12030];
	_ =	sdelay $0x4  }
0x5e: {  	v59 =	vshll.u32 v3, $0x3  }
0x5f: {  	v3 =	vand.u32 $0x7, v3;
	v4 =	vand.u32 $0xFFFFFFC0, v59  }
0x60: {  	v3 =	vor.u32 v3, v4  }
0x61: {  	v4 =	vperm.xlane v3, v0;
	_ =	sdelay $0x1  }
0x62: {  	v4 =	vadd.s32 v1, v4;
	_ =	sdelay $0x3  }
0x63: {  	s22 =	simm.s32 $0xC000  }
0x64: {  	[hbm4b:s4+s3] =	stream.indirect_vreg.scatter [tilespmem:s22], [sflag:$0x1], $0x80, v4, vm0, $0xb8;
	[tilespmem:$0x12080] =	vst v63  }
0x65: {  	s23 =	simm.s32 $0xC800;
	v3 =	vperm.xlane v3, v2  }
0x66: {  	[hbm4b:s5+s3] =	stream.indirect_vreg.scatter [tilespmem:s23], [sflag:$0x1], $0x80, v4, vm0, $0xb8;
	[tilespmem:$0x12080] =	vst v63  }
0x67: {  	v3 =	vadd.s32 v1, v3;
	s22 =	simm.s32 $0xD000  }
0x68: {  	[hbm4b:s6+s3] =	stream.indirect_vreg.scatter [tilespmem:s22], [sflag:$0x1], $0x80, v4, vm0, $0xb8;
	[tilespmem:$0x12080] =	vst v63  }
0x69: {  	s23 =	simm.s32 $0xD800  }
0x6a: {  	[hbm4b:s7+s3] =	stream.indirect_vreg.scatter [tilespmem:s23], [sflag:$0x1], $0x80, v4, vm0, $0xb8;
	[tilespmem:$0x12080] =	vst v63  }
0x6b: {  	s22 =	simm.s32 $0xE000  }
0x6c: {  	[hbm4b:s4+s3] =	stream.indirect_vreg.scatter [tilespmem:s22], [sflag:$0x1], $0x80, v3, vm0, $0xb8;
	[tilespmem:$0x12080] =	vst v63  }
0x6d: {  	s23 =	simm.s32 $0xE800  }
0x6e: {  	[hbm4b:s5+s3] =	stream.indirect_vreg.scatter [tilespmem:s23], [sflag:$0x1], $0x80, v3, vm0, $0xb8;
	[tilespmem:$0x12080] =	vst v63  }
0x6f: {  	s22 =	simm.s32 $0xF000  }
0x70: {  	[hbm4b:s6+s3] =	stream.indirect_vreg.scatter [tilespmem:s22], [sflag:$0x1], $0x80, v3, vm0, $0xb8;
	[tilespmem:$0x12080] =	vst v63  }
0x71: {  	s23 =	simm.s32 $0xF800  }
0x72: {  	[hbm4b:s7+s3] =	stream.indirect_vreg.scatter [tilespmem:s23], [sflag:$0x1], $0x80, v3, vm0, $0xb8;
	[tilespmem:$0x12080] =	vst v63  }
0x73: {  	_ =	swait.ge [sflag:s19], $0x10000  }
0x74: {  	[sflag:s19] =	ssyncset.done $0x0  }
0x75: {  	s0 =	rddreg [dreg:$0x6];
	[sflag:s19] =	ssyncadd.s32 $0xFFFF0000  }
0x76: {  	[tilespmem:s1], [sflag:$0x2] =	stream.linear.gather [hbm4b:s0+s3], $0x2000, $0x38;
	[tilespmem:$0x12080] =	vst v63  }
0x77: {  	_ =	swait.ge [sflag:s9], $0x2000  }
0x78: {  	[sflag:s9] =	ssyncset.done $0x0  }
0x79: {  	[sflag:s9] =	ssyncadd.s32 $0xFFFFE000  }
0x7a: {  	s22 =	simm.s32 $0x40;
	s0 =	simm.s32 $0x12000;
	s23 =	rddreg [dreg:$0x2]  }
0x7b: {  	[hbm4b:s23+s22] =	stream.indirect.scatter [tilespmem:s1], [sflag:$0x1], $0x80, s0, s22, $0xb8;
	[tilespmem:$0x12080] =	vst v63  }
0x7c: {  	_ =	swait.ge [sflag:s19], $0x2000  }
0x7d: {  	[sflag:s19] =	ssyncset.done $0x0  }
0x7e: {  	s22 =	rddreg [dreg:$0x7];
	[sflag:s19] =	ssyncadd.s32 $0xFFFFE000  }
0x7f: {  	[tilespmem:s0], [sflag:$0x2] =	stream.linear.gather [hbm4b:s22+s3], $0x80, $0x38;
	[tilespmem:$0x12080] =	vst v63  }
0x80: {  	_ =	swait.ge [sflag:s9], $0x80  }
0x81: {  	[sflag:s9] =	ssyncset.done $0x0  }
0x82: {  	[sflag:s9] =	ssyncadd.s32 $0xFFFFFF80  }
0x83: {  	v3 =	vld [tilespmem:$0x12000];
	_ =	sdelay $0x4  }
0x84: {  	v60 =	vshll.u32 v3, $0x3  }
0x85: {  	v3 =	vand.u32 $0x7, v3;
	v4 =	vand.u32 $0xFFFFFFC0, v60  }
0x86: {  	v3 =	vor.u32 v3, v4  }
0x87: {  	v4 =	vperm.xlane v3, v0;
	_ =	sdelay $0x1  }
0x88: {  	v4 =	vadd.s32 v1, v4;
	_ =	sdelay $0x4  }
0x89: {  	[hbm4b:s4+s3] =	stream.indirect_vreg.scatter [tilespmem:s3], [sflag:$0x1], $0x80, v4, vm0, $0xb8;
	[tilespmem:$0x12080] =	vst v63  }
0x8a: {  	v3 =	vperm.xlane v3, v2  }
0x8b: {  	[hbm4b:s5+s3] =	stream.indirect_vreg.scatter [tilespmem:s24], [sflag:$0x1], $0x80, v4, vm0, $0xb8;
	[tilespmem:$0x12080] =	vst v63  }
0x8c: {  	v3 =	vadd.s32 v1, v3  }
0x8d: {  	[hbm4b:s6+s3] =	stream.indirect_vreg.scatter [tilespmem:s25], [sflag:$0x1], $0x80, v4, vm0, $0xb8;
	[tilespmem:$0x12080] =	vst v63  }
0x8e: {  	_ = 	snop  }
0x8f: {  	[hbm4b:s7+s3] =	stream.indirect_vreg.scatter [tilespmem:s26], [sflag:$0x1], $0x80, v4, vm0, $0xb8;
	[tilespmem:$0x12080] =	vst v63  }
0x90: {  	_ = 	snop  }
0x91: {  	[hbm4b:s4+s3] =	stream.indirect_vreg.scatter [tilespmem:s28], [sflag:$0x1], $0x80, v3, vm0, $0xb8;
	[tilespmem:$0x12080] =	vst v63  }
0x92: {  	_ = 	snop  }
0x93: {  	[hbm4b:s5+s3] =	stream.indirect_vreg.scatter [tilespmem:s29], [sflag:$0x1], $0x80, v3, vm0, $0xb8;
	[tilespmem:$0x12080] =	vst v63  }
0x94: {  	_ = 	snop  }
0x95: {  	[hbm4b:s6+s3] =	stream.indirect_vreg.scatter [tilespmem:s30], [sflag:$0x1], $0x80, v3, vm0, $0xb8;
	[tilespmem:$0x12080] =	vst v63  }
0x96: {  	_ = 	snop  }
0x97: {  	[hbm4b:s7+s3] =	stream.indirect_vreg.scatter [tilespmem:s31], [sflag:$0x1], $0x80, v3, vm0, $0xb8;
	[tilespmem:$0x12080] =	vst v63  }
0x98: {  	v3 =	vld [tilespmem:$0x12010];
	_ =	sdelay $0x4  }
0x99: {  	v61 =	vshll.u32 v3, $0x3  }
0x9a: {  	v3 =	vand.u32 $0x7, v3;
	v4 =	vand.u32 $0xFFFFFFC0, v61  }
0x9b: {  	v3 =	vor.u32 v3, v4  }
0x9c: {  	v4 =	vperm.xlane v3, v0;
	_ =	sdelay $0x1  }
0x9d: {  	v4 =	vadd.s32 v1, v4;
	_ =	sdelay $0x3  }
0x9e: {  	s22 =	simm.s32 $0x4000  }
0x9f: {  	[hbm4b:s4+s3] =	stream.indirect_vreg.scatter [tilespmem:s22], [sflag:$0x1], $0x80, v4, vm0, $0xb8;
	[tilespmem:$0x12080] =	vst v63  }
0xa0: {  	v3 =	vperm.xlane v3, v2;
	s22 =	simm.s32 $0x4800  }
0xa1: {  	[hbm4b:s5+s3] =	stream.indirect_vreg.scatter [tilespmem:s22], [sflag:$0x1], $0x80, v4, vm0, $0xb8;
	[tilespmem:$0x12080] =	vst v63  }
0xa2: {  	v3 =	vadd.s32 v1, v3  }
0xa3: {  	[hbm4b:s6+s3] =	stream.indirect_vreg.scatter [tilespmem:s2], [sflag:$0x1], $0x80, v4, vm0, $0xb8;
	[tilespmem:$0x12080] =	vst v63  }
0xa4: {  	_ = 	snop  }
0xa5: {  	[hbm4b:s7+s3] =	stream.indirect_vreg.scatter [tilespmem:s11], [sflag:$0x1], $0x80, v4, vm0, $0xb8;
	[tilespmem:$0x12080] =	vst v63  }
0xa6: {  	_ = 	snop  }
0xa7: {  	[hbm4b:s4+s3] =	stream.indirect_vreg.scatter [tilespmem:s12], [sflag:$0x1], $0x80, v3, vm0, $0xb8;
	[tilespmem:$0x12080] =	vst v63  }
0xa8: {  	_ = 	snop  }
0xa9: {  	[hbm4b:s5+s3] =	stream.indirect_vreg.scatter [tilespmem:s13], [sflag:$0x1], $0x80, v3, vm0, $0xb8;
	[tilespmem:$0x12080] =	vst v63  }
0xaa: {  	_ = 	snop  }
0xab: {  	[hbm4b:s6+s3] =	stream.indirect_vreg.scatter [tilespmem:s14], [sflag:$0x1], $0x80, v3, vm0, $0xb8;
	[tilespmem:$0x12080] =	vst v63  }
0xac: {  	_ = 	snop  }
0xad: {  	[hbm4b:s7+s3] =	stream.indirect_vreg.scatter [tilespmem:s15], [sflag:$0x1], $0x80, v3, vm0, $0xb8;
	[tilespmem:$0x12080] =	vst v63  }
0xae: {  	v3 =	vld [tilespmem:$0x12020];
	_ =	sdelay $0x4  }
0xaf: {  	v62 =	vshll.u32 v3, $0x3  }
0xb0: {  	v3 =	vand.u32 $0x7, v3;
	v4 =	vand.u32 $0xFFFFFFC0, v62  }
0xb1: {  	v3 =	vor.u32 v3, v4  }
0xb2: {  	v4 =	vperm.xlane v3, v0;
	_ =	sdelay $0x1  }
0xb3: {  	v4 =	vadd.s32 v1, v4;
	_ =	sdelay $0x4  }
0xb4: {  	[hbm4b:s4+s3] =	stream.indirect_vreg.scatter [tilespmem:s16], [sflag:$0x1], $0x80, v4, vm0, $0xb8;
	[tilespmem:$0x12080] =	vst v63  }
0xb5: {  	v3 =	vperm.xlane v3, v2  }
0xb6: {  	[hbm4b:s5+s3] =	stream.indirect_vreg.scatter [tilespmem:s17], [sflag:$0x1], $0x80, v4, vm0, $0xb8;
	[tilespmem:$0x12080] =	vst v63  }
0xb7: {  	v3 =	vadd.s32 v1, v3  }
0xb8: {  	[hbm4b:s6+s3] =	stream.indirect_vreg.scatter [tilespmem:s18], [sflag:$0x1], $0x80, v4, vm0, $0xb8;
	[tilespmem:$0x12080] =	vst v63  }
0xb9: {  	_ = 	snop  }
0xba: {  	[hbm4b:s7+s3] =	stream.indirect_vreg.scatter [tilespmem:s21], [sflag:$0x1], $0x80, v4, vm0, $0xb8;
	[tilespmem:$0x12080] =	vst v63  }
0xbb: {  	_ = 	snop  }
0xbc: {  	[hbm4b:s4+s3] =	stream.indirect_vreg.scatter [tilespmem:s10], [sflag:$0x1], $0x80, v3, vm0, $0xb8;
	[tilespmem:$0x12080] =	vst v63  }
0xbd: {  	_ = 	snop  }
0xbe: {  	[hbm4b:s5+s3] =	stream.indirect_vreg.scatter [tilespmem:s20], [sflag:$0x1], $0x80, v3, vm0, $0xb8;
	[tilespmem:$0x12080] =	vst v63  }
0xbf: {  	s2 =	simm.s32 $0xB000  }
0xc0: {  	[hbm4b:s6+s3] =	stream.indirect_vreg.scatter [tilespmem:s2], [sflag:$0x1], $0x80, v3, vm0, $0xb8;
	[tilespmem:$0x12080] =	vst v63  }
0xc1: {  	s22 =	simm.s32 $0xB800  }
0xc2: {  	[hbm4b:s7+s3] =	stream.indirect_vreg.scatter [tilespmem:s22], [sflag:$0x1], $0x80, v3, vm0, $0xb8;
	[tilespmem:$0x12080] =	vst v63  }
0xc3: {  	v3 =	vld [tilespmem:$0x12030];
	_ =	sdelay $0x4  }
0xc4: {  	v63 =	vshll.u32 v3, $0x3  }
0xc5: {  	v3 =	vand.u32 $0x7, v3;
	v4 =	vand.u32 $0xFFFFFFC0, v63  }
0xc6: {  	v3 =	vor.u32 v3, v4  }
0xc7: {  	v4 =	vperm.xlane v3, v0;
	_ =	sdelay $0x1  }
0xc8: {  	v4 =	vadd.s32 v1, v4;
	_ =	sdelay $0x3  }
0xc9: {  	s2 =	simm.s32 $0xC000  }
0xca: {  	[hbm4b:s4+s3] =	stream.indirect_vreg.scatter [tilespmem:s2], [sflag:$0x1], $0x80, v4, vm0, $0xb8;
	[tilespmem:$0x12080] =	vst v63  }
0xcb: {  	s22 =	simm.s32 $0xC800;
	v3 =	vperm.xlane v3, v2  }
0xcc: {  	[hbm4b:s5+s3] =	stream.indirect_vreg.scatter [tilespmem:s22], [sflag:$0x1], $0x80, v4, vm0, $0xb8;
	[tilespmem:$0x12080] =	vst v63  }
0xcd: {  	v3 =	vadd.s32 v1, v3;
	s2 =	simm.s32 $0xD000  }
0xce: {  	[hbm4b:s6+s3] =	stream.indirect_vreg.scatter [tilespmem:s2], [sflag:$0x1], $0x80, v4, vm0, $0xb8;
	[tilespmem:$0x12080] =	vst v63  }
0xcf: {  	s22 =	simm.s32 $0xD800  }
0xd0: {  	[hbm4b:s7+s3] =	stream.indirect_vreg.scatter [tilespmem:s22], [sflag:$0x1], $0x80, v4, vm0, $0xb8;
	[tilespmem:$0x12080] =	vst v63  }
0xd1: {  	s2 =	simm.s32 $0xE000  }
0xd2: {  	[hbm4b:s4+s3] =	stream.indirect_vreg.scatter [tilespmem:s2], [sflag:$0x1], $0x80, v3, vm0, $0xb8;
	[tilespmem:$0x12080] =	vst v63  }
0xd3: {  	s22 =	simm.s32 $0xE800  }
0xd4: {  	[hbm4b:s5+s3] =	stream.indirect_vreg.scatter [tilespmem:s22], [sflag:$0x1], $0x80, v3, vm0, $0xb8;
	[tilespmem:$0x12080] =	vst v63  }
0xd5: {  	s2 =	simm.s32 $0xF000  }
0xd6: {  	[hbm4b:s6+s3] =	stream.indirect_vreg.scatter [tilespmem:s2], [sflag:$0x1], $0x80, v3, vm0, $0xb8;
	[tilespmem:$0x12080] =	vst v63  }
0xd7: {  	s22 =	simm.s32 $0xF800  }
0xd8: {  	[hbm4b:s7+s3] =	stream.indirect_vreg.scatter [tilespmem:s22], [sflag:$0x1], $0x80, v3, vm0, $0xb8;
	[tilespmem:$0x12080] =	vst v63  }
0xd9: {  	_ =	swait.ge [sflag:s19], $0x10000  }
0xda: {  	[sflag:s19] =	ssyncset.done $0x0  }
0xdb: {  	s0 =	rddreg [dreg:$0x8];
	[sflag:s19] =	ssyncadd.s32 $0xFFFF0000  }
0xdc: {  	[tilespmem:s1], [sflag:$0x2] =	stream.linear.gather [hbm4b:s0+s3], $0x2000, $0x38;
	[tilespmem:$0x12080] =	vst v63  }
0xdd: {  	_ =	swait.ge [sflag:s9], $0x2000  }
0xde: {  	p0 =	sne.s32 s8, $0x1;
	s2 =	simm.s32 $0x40;
	[sflag:s9] =	ssyncset.done $0x0  }
.Ltmp0:
0xdf: {  	s22 =	simm.s32 $0x12000;
	[sflag:s9] =	ssyncadd.s32 $0xFFFFE000;
	(pc) =	sbr.rel @p0 .LBB2_1-.Ltmp0, $4  }
0xe0: {  	[hbm4b:s23+s2] =	stream.indirect.scatter [tilespmem:s1], [sflag:$0x1], $0x80, s22, s2, $0xb8;
	[tilespmem:$0x12080] =	vst v63  }
0xe1: {  	_ =	swait.ge [sflag:s19], $0x2000  }
0xe2: {  	[sflag:s19] =	ssyncset.done $0x0  }
0xe3: {  	s8 =	sadd.s32 $0xFFFFFFFF, s8;
	[sflag:s19] =	ssyncadd.s32 $0xFFFFE000  }
0xe4: {  	_ =	sfence.sel $0x180000  }
0xe5: {  	[bflag:$0x0] =	sbarrier.arrive $0xFFFF  }
0xe6: {  	_ =	strace $0x90000047  }
0xe7: {  	s0 =	stileid.u32;
	[bflag:$0x2] =	sbarrier.arrive $0xFFFF  }
0xe8: {  	p0 =	sne.s32 s0, $0x0;
	s0 =	rddreg [dreg:$0x3]  }
0xe9: {  	s0 =	sadd.s32 @!p0 $0x100000, s0  }
0xea: {  	[sflag:s0] =	ssyncadd.tile.s32 @!p0 $0x1;
	_ =	shalt  }
.Lfunc_end2:
_tile_overlayer_lowered:
.L_overlay_start_2:
0xeb: {  	(tag) =	ssettag $0x2  }
0xec: {  	s0 =	rddreg [dreg:$0x0];
	s2 =	stileid.u32  }
0xed: {  	s1 =	rddreg [dreg:$0x1];
	p0 =	sne.s32 s2, $0x0  }
0xee: {  	s3 =	rddreg [dreg:$0x2];
	[bflag:$0x3] =	sbarrier.arrive $0xFFFF;
	s2 =	simm.s32 @!p0 $0x1C02  }
0xef: {  	[timem:s3], [sflag:s2] =	dma.local @!p0 [hbm:s0], s1  }
0xf0: {  	s0 =	simm.s32 @!p0 $0x2  }
0xf1: {  	_ =	swait.ge @!p0 [sflag:s0], s1  }
0xf2: {  	s1 =	ssub.s32 @!p0 $0x0, s1;
	[sflag:s0] =	ssyncset.done @!p0 $0x0  }
0xf3: {  	[sflag:s0] =	ssyncadd.s32 @!p0 s1  }
0xf4: {  	[bflag:$0x3] =	sbarrier.arrive $0xFFFF  }
0xf5: {  	_ =	shalt  }

</sc_bundles>
